<compile_context>
chip_gen: v7x
topology: tpu7x:2x2x1
jax: 0.10.2.dev20260603
libtpu: 0.0.44.dev20260713+nightly
codegen_flags: <defaults>
</compile_context>

<pallas_src>
import functools

import jax
import jax.numpy as jnp
from jax import lax
from jax.experimental import pallas as pl
from jax.experimental.pallas import tpu as pltpu
from jax.experimental.pallas import tpu_sc as plsc

_E = 8
_H = 1024
_I = 2816
_T = 32
_TI = 256
_L = 16


def _sc_router_body(logits_hbm, out_hbm, logits_v, w_v):
    cid = lax.axis_index("c")
    sid = lax.axis_index("s")

    @pl.when(jnp.logical_and(cid == 0, sid == 0))
    def _():
        pltpu.sync_copy(logits_hbm, logits_v)
        for c in range(_T // _L):
            sl = pl.ds(c * _L, _L)
            logit = [logits_v[e, sl] for e in range(_E)]
            m = logit[0]
            for e in range(1, _E):
                m = jnp.maximum(m, logit[e])
            ex = [jnp.exp(logit[e] - m) for e in range(_E)]
            s = ex[0]
            for e in range(1, _E):
                s = s + ex[e]
            prob = [ex[e] / s for e in range(_E)]
            m1 = prob[0]
            i1 = jnp.zeros((_L,), jnp.int32)
            for e in range(1, _E):
                gt = prob[e] > m1
                i1 = jnp.where(gt, e, i1)
                m1 = jnp.where(gt, prob[e], m1)
            m2 = jnp.full((_L,), -1.0, jnp.float32)
            i2 = jnp.zeros((_L,), jnp.int32)
            for e in range(_E):
                gt = jnp.logical_and(i1 != e, prob[e] > m2)
                i2 = jnp.where(gt, e, i2)
                m2 = jnp.where(gt, prob[e], m2)
            denom = m1 + m2
            w1 = m1 / denom
            w2 = m2 / denom
            for e in range(_E):
                w_v[e, sl] = jnp.where(
                    i1 == e, w1, jnp.where(i2 == e, w2, jnp.zeros((_L,), jnp.float32))
                )
        pltpu.sync_copy(w_v, out_hbm)


def _sc_router(logits_et):
    mesh = plsc.VectorSubcoreMesh(core_axis_name="c", subcore_axis_name="s")
    fn = functools.partial(
        pl.kernel,
        mesh=mesh,
        out_type=jax.ShapeDtypeStruct((_E, _T), jnp.float32),
        scratch_types=[
            pltpu.VMEM((_E, _T), jnp.float32),
            pltpu.VMEM((_E, _T), jnp.float32),
        ],
    )(_sc_router_body)
    return fn(logits_et)


_TH = 256


def _tc_act_body(x_ref, wg_ref, wu_ref, act_ref):
    x = x_ref[...]
    gate_w = wg_ref[0, 0]
    up_w = wu_ref[0, 0]
    g = lax.dot_general(x, gate_w, (((1,), (1,)), ((), ())),
                        preferred_element_type=jnp.float32)
    u = lax.dot_general(x, up_w, (((1,), (1,)), ((), ())),
                        preferred_element_type=jnp.float32)
    act_ref[0] = (g * jax.nn.sigmoid(g)) * u


def _tc_down_body(act_ref, w_ref, w2_ref, out_ref):
    e = pl.program_id(1)

    @pl.when(e == 0)
    def _():
        out_ref[...] = jnp.zeros_like(out_ref)

    a = act_ref[0] * w_ref[0, 0, :][:, None]
    out_ref[...] += lax.dot_general(a, w2_ref[0], (((1,), (1,)), ((), ())),
                                    preferred_element_type=jnp.float32)


def _tc_moe(x, w_et3, w13r, w2):
    act = pl.pallas_call(
        _tc_act_body,
        grid=(_E, _I // _TI),
        in_specs=[
            pl.BlockSpec((_T, _H), lambda e, i: (0, 0)),
            pl.BlockSpec((1, 2, _TI, _H), lambda e, i: (e, 0, i, 0)),
        ],
        out_specs=pl.BlockSpec((1, _T, _TI), lambda e, i: (e, 0, i)),
        out_shape=jax.ShapeDtypeStruct((_E, _T, _I), jnp.float32),
        compiler_params=pltpu.CompilerParams(
            dimension_semantics=("parallel", "parallel"),
        ),
    )(x, w13r)
    return pl.pallas_call(
        _tc_down_body,
        grid=(_H // _TH, _E),
        in_specs=[
            pl.BlockSpec((1, _T, _I), lambda h, e: (e, 0, 0)),
            pl.BlockSpec((1, 1, _T), lambda h, e: (e, 0, 0)),
            pl.BlockSpec((1, _TH, _I), lambda h, e: (e, h, 0)),
        ],
        out_specs=pl.BlockSpec((_T, _TH), lambda h, e: (0, h)),
        out_shape=jax.ShapeDtypeStruct((_T, _H), jnp.float32),
        compiler_params=pltpu.CompilerParams(
            dimension_semantics=("arbitrary", "arbitrary"),
        ),
    )(act, w_et3, w2)


_NT = 2
_TIF = _I // _NT
_THF = _H // _NT


def _tc_fused_body(x_ref, w_ref, wg_ref, wu_ref, w2_ref, out_ref, acts_ref):
    e = pl.program_id(0)
    t = pl.program_id(1)

    @pl.when(jnp.logical_and(e == 0, t == 0))
    def _():
        out_ref[...] = jnp.zeros_like(out_ref)

    @pl.when(e < _E)
    def _():
        x = x_ref[...]
        g = lax.dot_general(x, wg_ref[0, 0], (((1,), (1,)), ((), ())),
                            preferred_element_type=jnp.float32)
        u = lax.dot_general(x, wu_ref[0, 0], (((1,), (1,)), ((), ())),
                            preferred_element_type=jnp.float32)
        a = (g * jax.nn.sigmoid(g)) * u
        acts_ref[pl.ds(e % 2, 1), :, pl.ds(t * _TIF, _TIF)] = a[None]

    @pl.when(e >= 1)
    def _():
        prev = acts_ref[pl.ds((e + 1) % 2, 1)][0]
        a = prev * w_ref[0, 0, :][:, None]
        out_ref[:, pl.ds(t * _THF, _THF)] += lax.dot_general(
            a, w2_ref[0], (((1,), (1,)), ((), ())),
            preferred_element_type=jnp.float32)


def _tc_moe_fused(x, w_et3, w13r, w2):
    last = _E - 1
    return pl.pallas_call(
        _tc_fused_body,
        grid=(_E + 1, _NT),
        in_specs=[
            pl.BlockSpec((_T, _H), lambda e, t: (0, 0)),
            pl.BlockSpec((1, 1, _T), lambda e, t: (jnp.maximum(e - 1, 0), 0, 0)),
            pl.BlockSpec((1, 1, _TIF, _H), lambda e, t: (
                jnp.minimum(e, last), 0, jnp.where(e == _E, _NT - 1, t), 0)),
            pl.BlockSpec((1, 1, _TIF, _H), lambda e, t: (
                jnp.minimum(e, last), 1, jnp.where(e == _E, _NT - 1, t), 0)),
            pl.BlockSpec((1, _THF, _I), lambda e, t: (
                jnp.maximum(e - 1, 0), jnp.where(e == 0, 0, t), 0)),
        ],
        out_specs=pl.BlockSpec((_T, _H), lambda e, t: (0, 0)),
        out_shape=jax.ShapeDtypeStruct((_T, _H), jnp.float32),
        scratch_shapes=[pltpu.VMEM((2, _T, _I), jnp.float32)],
        compiler_params=pltpu.CompilerParams(
            dimension_semantics=("arbitrary", "arbitrary"),
        ),
    )(x, w_et3, w13r, w13r, w2)


_TIA = 1408
_THB = 512


def _tc_actA_body(x_ref, wg_ref, wu_ref, act_ref):
    x = x_ref[...]
    g = lax.dot_general(x, wg_ref[0, 0], (((1,), (1,)), ((), ())),
                        preferred_element_type=jnp.float32)
    u = lax.dot_general(x, wu_ref[0, 0], (((1,), (1,)), ((), ())),
                        preferred_element_type=jnp.float32)
    act_ref[0] = (g * jax.nn.sigmoid(g)) * u


def _tc_downB_body(act_ref, w_ref, w2_ref, out_ref):
    e = pl.program_id(1)

    @pl.when(e == 0)
    def _():
        out_ref[...] = jnp.zeros_like(out_ref)

    a = act_ref[pl.ds(e, 1)][0] * w_ref[pl.ds(e, 1)][0]
    out_ref[...] += lax.dot_general(a, w2_ref[0], (((1,), (1,)), ((), ())),
                                    preferred_element_type=jnp.float32)


def _tc_moe_twostage(x, w_et1, w13r, w2):
    act = pl.pallas_call(
        _tc_actA_body,
        grid=(_E, _I // _TIA),
        in_specs=[
            pl.BlockSpec((_T, _H), lambda e, i: (0, 0)),
            pl.BlockSpec((1, 1, _TIA, _H), lambda e, i: (e, 0, i, 0)),
            pl.BlockSpec((1, 1, _TIA, _H), lambda e, i: (e, 1, i, 0)),
        ],
        out_specs=pl.BlockSpec((1, _T, _TIA), lambda e, i: (e, 0, i)),
        out_shape=jax.ShapeDtypeStruct((_E, _T, _I), jnp.float32),
        compiler_params=pltpu.CompilerParams(
            dimension_semantics=("parallel", "parallel"),
        ),
    )(x, w13r, w13r)
    return pl.pallas_call(
        _tc_downB_body,
        grid=(_H // _THB, _E),
        in_specs=[
            pl.BlockSpec((_E, _T, _I), lambda h, e: (0, 0, 0)),
            pl.BlockSpec((_E, _T, 1), lambda h, e: (0, 0, 0)),
            pl.BlockSpec((1, _THB, _I), lambda h, e: (e, h, 0)),
        ],
        out_specs=pl.BlockSpec((_T, _THB), lambda h, e: (0, h)),
        out_shape=jax.ShapeDtypeStruct((_T, _H), jnp.float32),
        compiler_params=pltpu.CompilerParams(
            dimension_semantics=("arbitrary", "arbitrary"),
        ),
    )(act, w_et1, w2)


def kernel(x, router_logits, w13, w2):
    logits_et = router_logits.T
    w_et = _sc_router(logits_et)
    w_et1 = w_et.reshape(_E, _T, 1)
    w13r = w13.reshape(_E, 2, _I, _H)
    return _tc_moe_twostage(x, w_et1, w13r, w2)

# --- scband reference (transcript-rebuilt; emitter-appended) ---
"""Pipeline reference for scband-fused-mo-e-30468497997922 (READ-ONLY COPY).

The authoritative reference and input builder live on the scoring server;
editing this copy changes nothing except your own understanding.
"""

import jax, jax.numpy as jnp
import numpy as np

NUM_EXPERTS = 8
TOP_K = 2
HIDDEN = 1024
INTER = 2816
NUM_TOKENS = 32


def setup_inputs(seed: int = 0) -> dict:
    key = jax.random.key(seed)
    k1, k2, k3, k4 = jax.random.split(key, 4)
    x = jax.random.normal(k1, (NUM_TOKENS, HIDDEN), dtype=jnp.float32)
    router_logits = jax.random.normal(k2, (NUM_TOKENS, NUM_EXPERTS), dtype=jnp.float32)
    # w13: merged gate/up projection, [E, 2*I, H]; w2: down projection, [E, H, I]
    w13 = jax.random.normal(k3, (NUM_EXPERTS, 2 * INTER, HIDDEN), dtype=jnp.float32) * 0.02
    w2 = jax.random.normal(k4, (NUM_EXPERTS, HIDDEN, INTER), dtype=jnp.float32) * 0.02
    return {"x": x, "router_logits": router_logits, "w13": w13, "w2": w2}


def reference(x, router_logits, w13, w2):
    # Router: softmax over experts, select top_k, renormalize selected weights
    probs = jax.nn.softmax(router_logits.astype(jnp.float32), axis=-1)
    topk_vals, topk_idx = jax.lax.top_k(probs, TOP_K)
    topk_vals = topk_vals / jnp.sum(topk_vals, axis=-1, keepdims=True)
    # Dense (mathematically equivalent) expansion of the fused MoE kernel:
    # per-expert gate_up projection for every token, SiLU-gated, down projection,
    # then combine with per-token expert weights (zero for non-selected experts).
    h = jnp.einsum('th,eoh->teo', x, w13)  # [T, E, 2I]
    gate = h[..., :INTER]
    up = h[..., INTER:]
    act = jax.nn.silu(gate) * up  # [T, E, I]
    out_e = jnp.einsum('tei,ehi->teh', act, w2)  # [T, E, H]
    w_te = jnp.sum(jax.nn.one_hot(topk_idx, NUM_EXPERTS, dtype=x.dtype) * topk_vals[..., None], axis=1)  # [T, E]
    out = jnp.sum(out_e * w_te[:, :, None], axis=1)  # [T, H]
    return out

if __name__ == "__main__":
    import jax
    _d = setup_inputs()
    print(jax.jit(kernel)(*tuple(_d.values())))

</pallas_src>

<mosaic_0001>
#map = affine_map<(d0, d1) -> (0, 0)>
module attributes {stable_mosaic.version = 14 : i64} {
  func.func @_sc_router_body(%arg0: i32, %arg1: i32, %arg2: memref<8x32xf32, #tpu.memory_space<hbm>>, %arg3: memref<8x32xf32, #tpu.memory_space<hbm>>, %arg4: memref<8x32xf32, #tpu.memory_space<vmem>>, %arg5: memref<8x32xf32, #tpu.memory_space<vmem>>) attributes {dimension_semantics = [#tpu.dimension_semantics<core_parallel>, #tpu.dimension_semantics<subcore_parallel>], iteration_bounds = array<i64: 2, 16>, scalar_prefetch = 0 : i64, scratch_operands = 2 : i64, tpu.core_type = #tpu.core_type<sc_vector_subcore>, window_params = [{transform_indices = #map}, {transform_indices = #map}]} {
    %eq3A = arith.constant 0 : i32
    %eq3A_0 = arith.cmpi eq, %arg0, %eq3A : i32
    %eq3A_1 = arith.constant 0 : i32
    %eq3A_2 = arith.cmpi eq, %arg1, %eq3A_1 : i32
    %and3A = arith.andi %eq3A_0, %eq3A_2 : i1
    %convert_element_type3A = arith.extui %and3A : i1 to i32
    %cond3A = arith.constant 0 : i32
    %cond3A_3 = arith.cmpi ne, %convert_element_type3A, %cond3A : i32
    scf.if %cond3A_3 {
      "tpu.region"() ({
        %run_scoped3A = tpu.sem_alloc : memref<!tpu.dma_semaphore, #tpu.memory_space<semaphore_mem>>
        tpu.enqueue_dma source(%arg2 : memref<8x32xf32, #tpu.memory_space<hbm>>) target(%arg4 : memref<8x32xf32, #tpu.memory_space<vmem>>) target_semaphore(%run_scoped3A : memref<!tpu.dma_semaphore, #tpu.memory_space<semaphore_mem>>)
        tpu.wait_dma2 semaphore(%run_scoped3A : memref<!tpu.dma_semaphore, #tpu.memory_space<semaphore_mem>>) src(%arg2 : memref<8x32xf32, #tpu.memory_space<hbm>>) dst(%arg4 : memref<8x32xf32, #tpu.memory_space<vmem>>)
        tpu.yield
      }) : () -> ()
      %get3A = arith.constant 0 : i32
      %get3A_4 = arith.index_cast %get3A : i32 to index
      %get3A_5 = arith.constant 0 : index
      %get3A_6 = tpu.vector_load %arg4[%get3A_4, %get3A_5] {strides = array<i32>} : memref<8x32xf32, #tpu.memory_space<vmem>>, vector<1x16xf32>,
      %get3A_7 = vector.shape_cast %get3A_6 : vector<1x16xf32> to vector<16xf32>
      %get3A_8 = arith.constant 1 : i32
      %get3A_9 = arith.index_cast %get3A_8 : i32 to index
      %get3A_10 = arith.constant 0 : index
      %get3A_11 = tpu.vector_load %arg4[%get3A_9, %get3A_10] {strides = array<i32>} : memref<8x32xf32, #tpu.memory_space<vmem>>, vector<1x16xf32>,
      %get3A_12 = vector.shape_cast %get3A_11 : vector<1x16xf32> to vector<16xf32>
      %get3A_13 = arith.constant 2 : i32
      %get3A_14 = arith.index_cast %get3A_13 : i32 to index
      %get3A_15 = arith.constant 0 : index
      %get3A_16 = tpu.vector_load %arg4[%get3A_14, %get3A_15] {strides = array<i32>} : memref<8x32xf32, #tpu.memory_space<vmem>>, vector<1x16xf32>,
      %get3A_17 = vector.shape_cast %get3A_16 : vector<1x16xf32> to vector<16xf32>
      %get3A_18 = arith.constant 3 : i32
      %get3A_19 = arith.index_cast %get3A_18 : i32 to index
      %get3A_20 = arith.constant 0 : index
      %get3A_21 = tpu.vector_load %arg4[%get3A_19, %get3A_20] {strides = array<i32>} : memref<8x32xf32, #tpu.memory_space<vmem>>, vector<1x16xf32>,
      %get3A_22 = vector.shape_cast %get3A_21 : vector<1x16xf32> to vector<16xf32>
      %get3A_23 = arith.constant 4 : i32
      %get3A_24 = arith.index_cast %get3A_23 : i32 to index
      %get3A_25 = arith.constant 0 : index
      %get3A_26 = tpu.vector_load %arg4[%get3A_24, %get3A_25] {strides = array<i32>} : memref<8x32xf32, #tpu.memory_space<vmem>>, vector<1x16xf32>,
      %get3A_27 = vector.shape_cast %get3A_26 : vector<1x16xf32> to vector<16xf32>
      %get3A_28 = arith.constant 5 : i32
      %get3A_29 = arith.index_cast %get3A_28 : i32 to index
      %get3A_30 = arith.constant 0 : index
      %get3A_31 = tpu.vector_load %arg4[%get3A_29, %get3A_30] {strides = array<i32>} : memref<8x32xf32, #tpu.memory_space<vmem>>, vector<1x16xf32>,
      %get3A_32 = vector.shape_cast %get3A_31 : vector<1x16xf32> to vector<16xf32>
      %get3A_33 = arith.constant 6 : i32
      %get3A_34 = arith.index_cast %get3A_33 : i32 to index
      %get3A_35 = arith.constant 0 : index
      %get3A_36 = tpu.vector_load %arg4[%get3A_34, %get3A_35] {strides = array<i32>} : memref<8x32xf32, #tpu.memory_space<vmem>>, vector<1x16xf32>,
      %get3A_37 = vector.shape_cast %get3A_36 : vector<1x16xf32> to vector<16xf32>
      %get3A_38 = arith.constant 7 : i32
      %get3A_39 = arith.index_cast %get3A_38 : i32 to index
      %get3A_40 = arith.constant 0 : index
      %get3A_41 = tpu.vector_load %arg4[%get3A_39, %get3A_40] {strides = array<i32>} : memref<8x32xf32, #tpu.memory_space<vmem>>, vector<1x16xf32>,
      %get3A_42 = vector.shape_cast %get3A_41 : vector<1x16xf32> to vector<16xf32>
      %max3A = arith.maximumf %get3A_7, %get3A_12 : vector<16xf32>
      %max3A_43 = arith.maximumf %max3A, %get3A_17 : vector<16xf32>
      %max3A_44 = arith.maximumf %max3A_43, %get3A_22 : vector<16xf32>
      %max3A_45 = arith.maximumf %max3A_44, %get3A_27 : vector<16xf32>
      %max3A_46 = arith.maximumf %max3A_45, %get3A_32 : vector<16xf32>
      %max3A_47 = arith.maximumf %max3A_46, %get3A_37 : vector<16xf32>
      %max3A_48 = arith.maximumf %max3A_47, %get3A_42 : vector<16xf32>
      %sub3A = arith.subf %get3A_7, %max3A_48 : vector<16xf32>
      %exp3A = math.exp %sub3A : vector<16xf32>
      %sub3A_49 = arith.subf %get3A_12, %max3A_48 : vector<16xf32>
      %exp3A_50 = math.exp %sub3A_49 : vector<16xf32>
      %sub3A_51 = arith.subf %get3A_17, %max3A_48 : vector<16xf32>
      %exp3A_52 = math.exp %sub3A_51 : vector<16xf32>
      %sub3A_53 = arith.subf %get3A_22, %max3A_48 : vector<16xf32>
      %exp3A_54 = math.exp %sub3A_53 : vector<16xf32>
      %sub3A_55 = arith.subf %get3A_27, %max3A_48 : vector<16xf32>
      %exp3A_56 = math.exp %sub3A_55 : vector<16xf32>
      %sub3A_57 = arith.subf %get3A_32, %max3A_48 : vector<16xf32>
      %exp3A_58 = math.exp %sub3A_57 : vector<16xf32>
      %sub3A_59 = arith.subf %get3A_37, %max3A_48 : vector<16xf32>
      %exp3A_60 = math.exp %sub3A_59 : vector<16xf32>
      %sub3A_61 = arith.subf %get3A_42, %max3A_48 : vector<16xf32>
      %exp3A_62 = math.exp %sub3A_61 : vector<16xf32>
      %add3A = arith.addf %exp3A, %exp3A_50 : vector<16xf32>
      %add3A_63 = arith.addf %add3A, %exp3A_52 : vector<16xf32>
      %add3A_64 = arith.addf %add3A_63, %exp3A_54 : vector<16xf32>
      %add3A_65 = arith.addf %add3A_64, %exp3A_56 : vector<16xf32>
      %add3A_66 = arith.addf %add3A_65, %exp3A_58 : vector<16xf32>
      %add3A_67 = arith.addf %add3A_66, %exp3A_60 : vector<16xf32>
      %add3A_68 = arith.addf %add3A_67, %exp3A_62 : vector<16xf32>
      %div3A = arith.divf %exp3A, %add3A_68 : vector<16xf32>
      %div3A_69 = arith.divf %exp3A_50, %add3A_68 : vector<16xf32>
      %div3A_70 = arith.divf %exp3A_52, %add3A_68 : vector<16xf32>
      %div3A_71 = arith.divf %exp3A_54, %add3A_68 : vector<16xf32>
      %div3A_72 = arith.divf %exp3A_56, %add3A_68 : vector<16xf32>
      %div3A_73 = arith.divf %exp3A_58, %add3A_68 : vector<16xf32>
      %div3A_74 = arith.divf %exp3A_60, %add3A_68 : vector<16xf32>
      %div3A_75 = arith.divf %exp3A_62, %add3A_68 : vector<16xf32>
      %broadcast_in_dim3A = arith.constant 0 : i32
      %broadcast_in_dim3A_76 = vector.broadcast %broadcast_in_dim3A : i32 to vector<16xi32>
      %gt3A = arith.cmpf ogt, %div3A_69, %div3A : vector<16xf32>
      %jit3A = arith.constant 1 : i32
      %broadcast_in_dim3A_77 = vector.broadcast %jit3A : i32 to vector<16xi32>
      %select_n3A = arith.select %gt3A, %broadcast_in_dim3A_77, %broadcast_in_dim3A_76 : vector<16xi1>, vector<16xi32>
      %select_n3A_78 = arith.select %gt3A, %div3A_69, %div3A : vector<16xi1>, vector<16xf32>
      %gt3A_79 = arith.cmpf ogt, %div3A_70, %select_n3A_78 : vector<16xf32>
      %jit3A_80 = arith.constant 2 : i32
      %broadcast_in_dim3A_81 = vector.broadcast %jit3A_80 : i32 to vector<16xi32>
      %select_n3A_82 = arith.select %gt3A_79, %broadcast_in_dim3A_81, %select_n3A : vector<16xi1>, vector<16xi32>
      %select_n3A_83 = arith.select %gt3A_79, %div3A_70, %select_n3A_78 : vector<16xi1>, vector<16xf32>
      %gt3A_84 = arith.cmpf ogt, %div3A_71, %select_n3A_83 : vector<16xf32>
      %jit3A_85 = arith.constant 3 : i32
      %broadcast_in_dim3A_86 = vector.broadcast %jit3A_85 : i32 to vector<16xi32>
      %select_n3A_87 = arith.select %gt3A_84, %broadcast_in_dim3A_86, %select_n3A_82 : vector<16xi1>, vector<16xi32>
      %select_n3A_88 = arith.select %gt3A_84, %div3A_71, %select_n3A_83 : vector<16xi1>, vector<16xf32>
      %gt3A_89 = arith.cmpf ogt, %div3A_72, %select_n3A_88 : vector<16xf32>
      %jit3A_90 = arith.constant 4 : i32
      %broadcast_in_dim3A_91 = vector.broadcast %jit3A_90 : i32 to vector<16xi32>
      %select_n3A_92 = arith.select %gt3A_89, %broadcast_in_dim3A_91, %select_n3A_87 : vector<16xi1>, vector<16xi32>
      %select_n3A_93 = arith.select %gt3A_89, %div3A_72, %select_n3A_88 : vector<16xi1>, vector<16xf32>
      %gt3A_94 = arith.cmpf ogt, %div3A_73, %select_n3A_93 : vector<16xf32>
      %jit3A_95 = arith.constant 5 : i32
      %broadcast_in_dim3A_96 = vector.broadcast %jit3A_95 : i32 to vector<16xi32>
      %select_n3A_97 = arith.select %gt3A_94, %broadcast_in_dim3A_96, %select_n3A_92 : vector<16xi1>, vector<16xi32>
      %select_n3A_98 = arith.select %gt3A_94, %div3A_73, %select_n3A_93 : vector<16xi1>, vector<16xf32>
      %gt3A_99 = arith.cmpf ogt, %div3A_74, %select_n3A_98 : vector<16xf32>
      %jit3A_100 = arith.constant 6 : i32
      %broadcast_in_dim3A_101 = vector.broadcast %jit3A_100 : i32 to vector<16xi32>
      %select_n3A_102 = arith.select %gt3A_99, %broadcast_in_dim3A_101, %select_n3A_97 : vector<16xi1>, vector<16xi32>
      %select_n3A_103 = arith.select %gt3A_99, %div3A_74, %select_n3A_98 : vector<16xi1>, vector<16xf32>
      %gt3A_104 = arith.cmpf ogt, %div3A_75, %select_n3A_103 : vector<16xf32>
      %jit3A_105 = arith.constant 7 : i32
      %broadcast_in_dim3A_106 = vector.broadcast %jit3A_105 : i32 to vector<16xi32>
      %select_n3A_107 = arith.select %gt3A_104, %broadcast_in_dim3A_106, %select_n3A_102 : vector<16xi1>, vector<16xi32>
      %select_n3A_108 = arith.select %gt3A_104, %div3A_75, %select_n3A_103 : vector<16xi1>, vector<16xf32>
      %broadcast_in_dim3A_109 = arith.constant -1.000000e+00 : f32
      %broadcast_in_dim3A_110 = vector.broadcast %broadcast_in_dim3A_109 : f32 to vector<16xf32>
      %broadcast_in_dim3A_111 = arith.constant 0 : i32
      %broadcast_in_dim3A_112 = vector.broadcast %broadcast_in_dim3A_111 : i32 to vector<16xi32>
      %ne3A = arith.constant 0 : i32
      %ne3A_113 = vector.broadcast %ne3A : i32 to vector<16xi32>
      %ne3A_114 = arith.cmpi ne, %select_n3A_107, %ne3A_113 : vector<16xi32>
      %gt3A_115 = arith.cmpf ogt, %div3A, %broadcast_in_dim3A_110 : vector<16xf32>
      %and3A_116 = arith.andi %ne3A_114, %gt3A_115 : vector<16xi1>
      %jit3A_117 = arith.constant 0 : i32
      %broadcast_in_dim3A_118 = vector.broadcast %jit3A_117 : i32 to vector<16xi32>
      %select_n3A_119 = arith.select %and3A_116, %broadcast_in_dim3A_118, %broadcast_in_dim3A_112 : vector<16xi1>, vector<16xi32>
      %select_n3A_120 = arith.select %and3A_116, %div3A, %broadcast_in_dim3A_110 : vector<16xi1>, vector<16xf32>
      %ne3A_121 = arith.constant 1 : i32
      %ne3A_122 = vector.broadcast %ne3A_121 : i32 to vector<16xi32>
      %ne3A_123 = arith.cmpi ne, %select_n3A_107, %ne3A_122 : vector<16xi32>
      %gt3A_124 = arith.cmpf ogt, %div3A_69, %select_n3A_120 : vector<16xf32>
      %and3A_125 = arith.andi %ne3A_123, %gt3A_124 : vector<16xi1>
      %jit3A_126 = arith.constant 1 : i32
      %broadcast_in_dim3A_127 = vector.broadcast %jit3A_126 : i32 to vector<16xi32>
      %select_n3A_128 = arith.select %and3A_125, %broadcast_in_dim3A_127, %select_n3A_119 : vector<16xi1>, vector<16xi32>
      %select_n3A_129 = arith.select %and3A_125, %div3A_69, %select_n3A_120 : vector<16xi1>, vector<16xf32>
      %ne3A_130 = arith.constant 2 : i32
      %ne3A_131 = vector.broadcast %ne3A_130 : i32 to vector<16xi32>
      %ne3A_132 = arith.cmpi ne, %select_n3A_107, %ne3A_131 : vector<16xi32>
      %gt3A_133 = arith.cmpf ogt, %div3A_70, %select_n3A_129 : vector<16xf32>
      %and3A_134 = arith.andi %ne3A_132, %gt3A_133 : vector<16xi1>
      %jit3A_135 = arith.constant 2 : i32
      %broadcast_in_dim3A_136 = vector.broadcast %jit3A_135 : i32 to vector<16xi32>
      %select_n3A_137 = arith.select %and3A_134, %broadcast_in_dim3A_136, %select_n3A_128 : vector<16xi1>, vector<16xi32>
      %select_n3A_138 = arith.select %and3A_134, %div3A_70, %select_n3A_129 : vector<16xi1>, vector<16xf32>
      %ne3A_139 = arith.constant 3 : i32
      %ne3A_140 = vector.broadcast %ne3A_139 : i32 to vector<16xi32>
      %ne3A_141 = arith.cmpi ne, %select_n3A_107, %ne3A_140 : vector<16xi32>
      %gt3A_142 = arith.cmpf ogt, %div3A_71, %select_n3A_138 : vector<16xf32>
      %and3A_143 = arith.andi %ne3A_141, %gt3A_142 : vector<16xi1>
      %jit3A_144 = arith.constant 3 : i32
      %broadcast_in_dim3A_145 = vector.broadcast %jit3A_144 : i32 to vector<16xi32>
      %select_n3A_146 = arith.select %and3A_143, %broadcast_in_dim3A_145, %select_n3A_137 : vector<16xi1>, vector<16xi32>
      %select_n3A_147 = arith.select %and3A_143, %div3A_71, %select_n3A_138 : vector<16xi1>, vector<16xf32>
      %ne3A_148 = arith.constant 4 : i32
      %ne3A_149 = vector.broadcast %ne3A_148 : i32 to vector<16xi32>
      %ne3A_150 = arith.cmpi ne, %select_n3A_107, %ne3A_149 : vector<16xi32>
      %gt3A_151 = arith.cmpf ogt, %div3A_72, %select_n3A_147 : vector<16xf32>
      %and3A_152 = arith.andi %ne3A_150, %gt3A_151 : vector<16xi1>
      %jit3A_153 = arith.constant 4 : i32
      %broadcast_in_dim3A_154 = vector.broadcast %jit3A_153 : i32 to vector<16xi32>
      %select_n3A_155 = arith.select %and3A_152, %broadcast_in_dim3A_154, %select_n3A_146 : vector<16xi1>, vector<16xi32>
      %select_n3A_156 = arith.select %and3A_152, %div3A_72, %select_n3A_147 : vector<16xi1>, vector<16xf32>
      %ne3A_157 = arith.constant 5 : i32
      %ne3A_158 = vector.broadcast %ne3A_157 : i32 to vector<16xi32>
      %ne3A_159 = arith.cmpi ne, %select_n3A_107, %ne3A_158 : vector<16xi32>
      %gt3A_160 = arith.cmpf ogt, %div3A_73, %select_n3A_156 : vector<16xf32>
      %and3A_161 = arith.andi %ne3A_159, %gt3A_160 : vector<16xi1>
      %jit3A_162 = arith.constant 5 : i32
      %broadcast_in_dim3A_163 = vector.broadcast %jit3A_162 : i32 to vector<16xi32>
      %select_n3A_164 = arith.select %and3A_161, %broadcast_in_dim3A_163, %select_n3A_155 : vector<16xi1>, vector<16xi32>
      %select_n3A_165 = arith.select %and3A_161, %div3A_73, %select_n3A_156 : vector<16xi1>, vector<16xf32>
      %ne3A_166 = arith.constant 6 : i32
      %ne3A_167 = vector.broadcast %ne3A_166 : i32 to vector<16xi32>
      %ne3A_168 = arith.cmpi ne, %select_n3A_107, %ne3A_167 : vector<16xi32>
      %gt3A_169 = arith.cmpf ogt, %div3A_74, %select_n3A_165 : vector<16xf32>
      %and3A_170 = arith.andi %ne3A_168, %gt3A_169 : vector<16xi1>
      %jit3A_171 = arith.constant 6 : i32
      %broadcast_in_dim3A_172 = vector.broadcast %jit3A_171 : i32 to vector<16xi32>
      %select_n3A_173 = arith.select %and3A_170, %broadcast_in_dim3A_172, %select_n3A_164 : vector<16xi1>, vector<16xi32>
      %select_n3A_174 = arith.select %and3A_170, %div3A_74, %select_n3A_165 : vector<16xi1>, vector<16xf32>
      %ne3A_175 = arith.constant 7 : i32
      %ne3A_176 = vector.broadcast %ne3A_175 : i32 to vector<16xi32>
      %ne3A_177 = arith.cmpi ne, %select_n3A_107, %ne3A_176 : vector<16xi32>
      %gt3A_178 = arith.cmpf ogt, %div3A_75, %select_n3A_174 : vector<16xf32>
      %and3A_179 = arith.andi %ne3A_177, %gt3A_178 : vector<16xi1>
      %jit3A_180 = arith.constant 7 : i32
      %broadcast_in_dim3A_181 = vector.broadcast %jit3A_180 : i32 to vector<16xi32>
      %select_n3A_182 = arith.select %and3A_179, %broadcast_in_dim3A_181, %select_n3A_173 : vector<16xi1>, vector<16xi32>
      %select_n3A_183 = arith.select %and3A_179, %div3A_75, %select_n3A_174 : vector<16xi1>, vector<16xf32>
      %add3A_184 = arith.addf %select_n3A_108, %select_n3A_183 : vector<16xf32>
      %div3A_185 = arith.divf %select_n3A_108, %add3A_184 : vector<16xf32>
      %div3A_186 = arith.divf %select_n3A_183, %add3A_184 : vector<16xf32>
      %eq3A_187 = arith.constant 0 : i32
      %eq3A_188 = vector.broadcast %eq3A_187 : i32 to vector<16xi32>
      %eq3A_189 = arith.cmpi eq, %select_n3A_107, %eq3A_188 : vector<16xi32>
      %eq3A_190 = arith.constant 0 : i32
      %eq3A_191 = vector.broadcast %eq3A_190 : i32 to vector<16xi32>
      %eq3A_192 = arith.cmpi eq, %select_n3A_182, %eq3A_191 : vector<16xi32>
      %broadcast_in_dim3A_193 = arith.constant 0.000000e+00 : f32
      %broadcast_in_dim3A_194 = vector.broadcast %broadcast_in_dim3A_193 : f32 to vector<16xf32>
      %select_n3A_195 = arith.select %eq3A_192, %div3A_186, %broadcast_in_dim3A_194 : vector<16xi1>, vector<16xf32>
      %select_n3A_196 = arith.select %eq3A_189, %div3A_185, %select_n3A_195 : vector<16xi1>, vector<16xf32>
      %swap3A = arith.constant 0 : i32
      %swap3A_197 = arith.index_cast %swap3A : i32 to index
      %swap3A_198 = arith.constant 0 : index
      %swap3A_199 = tpu.vector_load %arg5[%swap3A_197, %swap3A_198] {strides = array<i32>} : memref<8x32xf32, #tpu.memory_space<vmem>>, vector<1x16xf32>,
      %swap3A_200 = vector.shape_cast %swap3A_199 : vector<1x16xf32> to vector<16xf32>
      %swap3A_201 = vector.shape_cast %select_n3A_196 : vector<16xf32> to vector<1x16xf32>
      tpu.vector_store %arg5[%swap3A_197, %swap3A_198], %swap3A_201 {strides = array<i32>} : memref<8x32xf32, #tpu.memory_space<vmem>>, vector<1x16xf32>,
      %eq3A_202 = arith.constant 1 : i32
      %eq3A_203 = vector.broadcast %eq3A_202 : i32 to vector<16xi32>
      %eq3A_204 = arith.cmpi eq, %select_n3A_107, %eq3A_203 : vector<16xi32>
      %eq3A_205 = arith.constant 1 : i32
      %eq3A_206 = vector.broadcast %eq3A_205 : i32 to vector<16xi32>
      %eq3A_207 = arith.cmpi eq, %select_n3A_182, %eq3A_206 : vector<16xi32>
      %broadcast_in_dim3A_208 = arith.constant 0.000000e+00 : f32
      %broadcast_in_dim3A_209 = vector.broadcast %broadcast_in_dim3A_208 : f32 to vector<16xf32>
      %select_n3A_210 = arith.select %eq3A_207, %div3A_186, %broadcast_in_dim3A_209 : vector<16xi1>, vector<16xf32>
      %select_n3A_211 = arith.select %eq3A_204, %div3A_185, %select_n3A_210 : vector<16xi1>, vector<16xf32>
      %swap3A_212 = arith.constant 1 : i32
      %swap3A_213 = arith.index_cast %swap3A_212 : i32 to index
      %swap3A_214 = arith.constant 0 : index
      %swap3A_215 = tpu.vector_load %arg5[%swap3A_213, %swap3A_214] {strides = array<i32>} : memref<8x32xf32, #tpu.memory_space<vmem>>, vector<1x16xf32>,
      %swap3A_216 = vector.shape_cast %swap3A_215 : vector<1x16xf32> to vector<16xf32>
      %swap3A_217 = vector.shape_cast %select_n3A_211 : vector<16xf32> to vector<1x16xf32>
      tpu.vector_store %arg5[%swap3A_213, %swap3A_214], %swap3A_217 {strides = array<i32>} : memref<8x32xf32, #tpu.memory_space<vmem>>, vector<1x16xf32>,
      %eq3A_218 = arith.constant 2 : i32
      %eq3A_219 = vector.broadcast %eq3A_218 : i32 to vector<16xi32>
      %eq3A_220 = arith.cmpi eq, %select_n3A_107, %eq3A_219 : vector<16xi32>
      %eq3A_221 = arith.constant 2 : i32
      %eq3A_222 = vector.broadcast %eq3A_221 : i32 to vector<16xi32>
      %eq3A_223 = arith.cmpi eq, %select_n3A_182, %eq3A_222 : vector<16xi32>
      %broadcast_in_dim3A_224 = arith.constant 0.000000e+00 : f32
      %broadcast_in_dim3A_225 = vector.broadcast %broadcast_in_dim3A_224 : f32 to vector<16xf32>
      %select_n3A_226 = arith.select %eq3A_223, %div3A_186, %broadcast_in_dim3A_225 : vector<16xi1>, vector<16xf32>
      %select_n3A_227 = arith.select %eq3A_220, %div3A_185, %select_n3A_226 : vector<16xi1>, vector<16xf32>
      %swap3A_228 = arith.constant 2 : i32
      %swap3A_229 = arith.index_cast %swap3A_228 : i32 to index
      %swap3A_230 = arith.constant 0 : index
      %swap3A_231 = tpu.vector_load %arg5[%swap3A_229, %swap3A_230] {strides = array<i32>} : memref<8x32xf32, #tpu.memory_space<vmem>>, vector<1x16xf32>,
      %swap3A_232 = vector.shape_cast %swap3A_231 : vector<1x16xf32> to vector<16xf32>
      %swap3A_233 = vector.shape_cast %select_n3A_227 : vector<16xf32> to vector<1x16xf32>
      tpu.vector_store %arg5[%swap3A_229, %swap3A_230], %swap3A_233 {strides = array<i32>} : memref<8x32xf32, #tpu.memory_space<vmem>>, vector<1x16xf32>,
      %eq3A_234 = arith.constant 3 : i32
      %eq3A_235 = vector.broadcast %eq3A_234 : i32 to vector<16xi32>
      %eq3A_236 = arith.cmpi eq, %select_n3A_107, %eq3A_235 : vector<16xi32>
      %eq3A_237 = arith.constant 3 : i32
      %eq3A_238 = vector.broadcast %eq3A_237 : i32 to vector<16xi32>
      %eq3A_239 = arith.cmpi eq, %select_n3A_182, %eq3A_238 : vector<16xi32>
      %broadcast_in_dim3A_240 = arith.constant 0.000000e+00 : f32
      %broadcast_in_dim3A_241 = vector.broadcast %broadcast_in_dim3A_240 : f32 to vector<16xf32>
      %select_n3A_242 = arith.select %eq3A_239, %div3A_186, %broadcast_in_dim3A_241 : vector<16xi1>, vector<16xf32>
      %select_n3A_243 = arith.select %eq3A_236, %div3A_185, %select_n3A_242 : vector<16xi1>, vector<16xf32>
      %swap3A_244 = arith.constant 3 : i32
      %swap3A_245 = arith.index_cast %swap3A_244 : i32 to index
      %swap3A_246 = arith.constant 0 : index
      %swap3A_247 = tpu.vector_load %arg5[%swap3A_245, %swap3A_246] {strides = array<i32>} : memref<8x32xf32, #tpu.memory_space<vmem>>, vector<1x16xf32>,
      %swap3A_248 = vector.shape_cast %swap3A_247 : vector<1x16xf32> to vector<16xf32>
      %swap3A_249 = vector.shape_cast %select_n3A_243 : vector<16xf32> to vector<1x16xf32>
      tpu.vector_store %arg5[%swap3A_245, %swap3A_246], %swap3A_249 {strides = array<i32>} : memref<8x32xf32, #tpu.memory_space<vmem>>, vector<1x16xf32>,
      %eq3A_250 = arith.constant 4 : i32
      %eq3A_251 = vector.broadcast %eq3A_250 : i32 to vector<16xi32>
      %eq3A_252 = arith.cmpi eq, %select_n3A_107, %eq3A_251 : vector<16xi32>
      %eq3A_253 = arith.constant 4 : i32
      %eq3A_254 = vector.broadcast %eq3A_253 : i32 to vector<16xi32>
      %eq3A_255 = arith.cmpi eq, %select_n3A_182, %eq3A_254 : vector<16xi32>
      %broadcast_in_dim3A_256 = arith.constant 0.000000e+00 : f32
      %broadcast_in_dim3A_257 = vector.broadcast %broadcast_in_dim3A_256 : f32 to vector<16xf32>
      %select_n3A_258 = arith.select %eq3A_255, %div3A_186, %broadcast_in_dim3A_257 : vector<16xi1>, vector<16xf32>
      %select_n3A_259 = arith.select %eq3A_252, %div3A_185, %select_n3A_258 : vector<16xi1>, vector<16xf32>
      %swap3A_260 = arith.constant 4 : i32
      %swap3A_261 = arith.index_cast %swap3A_260 : i32 to index
      %swap3A_262 = arith.constant 0 : index
      %swap3A_263 = tpu.vector_load %arg5[%swap3A_261, %swap3A_262] {strides = array<i32>} : memref<8x32xf32, #tpu.memory_space<vmem>>, vector<1x16xf32>,
      %swap3A_264 = vector.shape_cast %swap3A_263 : vector<1x16xf32> to vector<16xf32>
      %swap3A_265 = vector.shape_cast %select_n3A_259 : vector<16xf32> to vector<1x16xf32>
      tpu.vector_store %arg5[%swap3A_261, %swap3A_262], %swap3A_265 {strides = array<i32>} : memref<8x32xf32, #tpu.memory_space<vmem>>, vector<1x16xf32>,
      %eq3A_266 = arith.constant 5 : i32
      %eq3A_267 = vector.broadcast %eq3A_266 : i32 to vector<16xi32>
      %eq3A_268 = arith.cmpi eq, %select_n3A_107, %eq3A_267 : vector<16xi32>
      %eq3A_269 = arith.constant 5 : i32
      %eq3A_270 = vector.broadcast %eq3A_269 : i32 to vector<16xi32>
      %eq3A_271 = arith.cmpi eq, %select_n3A_182, %eq3A_270 : vector<16xi32>
      %broadcast_in_dim3A_272 = arith.constant 0.000000e+00 : f32
      %broadcast_in_dim3A_273 = vector.broadcast %broadcast_in_dim3A_272 : f32 to vector<16xf32>
      %select_n3A_274 = arith.select %eq3A_271, %div3A_186, %broadcast_in_dim3A_273 : vector<16xi1>, vector<16xf32>
      %select_n3A_275 = arith.select %eq3A_268, %div3A_185, %select_n3A_274 : vector<16xi1>, vector<16xf32>
      %swap3A_276 = arith.constant 5 : i32
      %swap3A_277 = arith.index_cast %swap3A_276 : i32 to index
      %swap3A_278 = arith.constant 0 : index
      %swap3A_279 = tpu.vector_load %arg5[%swap3A_277, %swap3A_278] {strides = array<i32>} : memref<8x32xf32, #tpu.memory_space<vmem>>, vector<1x16xf32>,
      %swap3A_280 = vector.shape_cast %swap3A_279 : vector<1x16xf32> to vector<16xf32>
      %swap3A_281 = vector.shape_cast %select_n3A_275 : vector<16xf32> to vector<1x16xf32>
      tpu.vector_store %arg5[%swap3A_277, %swap3A_278], %swap3A_281 {strides = array<i32>} : memref<8x32xf32, #tpu.memory_space<vmem>>, vector<1x16xf32>,
      %eq3A_282 = arith.constant 6 : i32
      %eq3A_283 = vector.broadcast %eq3A_282 : i32 to vector<16xi32>
      %eq3A_284 = arith.cmpi eq, %select_n3A_107, %eq3A_283 : vector<16xi32>
      %eq3A_285 = arith.constant 6 : i32
      %eq3A_286 = vector.broadcast %eq3A_285 : i32 to vector<16xi32>
      %eq3A_287 = arith.cmpi eq, %select_n3A_182, %eq3A_286 : vector<16xi32>
      %broadcast_in_dim3A_288 = arith.constant 0.000000e+00 : f32
      %broadcast_in_dim3A_289 = vector.broadcast %broadcast_in_dim3A_288 : f32 to vector<16xf32>
      %select_n3A_290 = arith.select %eq3A_287, %div3A_186, %broadcast_in_dim3A_289 : vector<16xi1>, vector<16xf32>
      %select_n3A_291 = arith.select %eq3A_284, %div3A_185, %select_n3A_290 : vector<16xi1>, vector<16xf32>
      %swap3A_292 = arith.constant 6 : i32
      %swap3A_293 = arith.index_cast %swap3A_292 : i32 to index
      %swap3A_294 = arith.constant 0 : index
      %swap3A_295 = tpu.vector_load %arg5[%swap3A_293, %swap3A_294] {strides = array<i32>} : memref<8x32xf32, #tpu.memory_space<vmem>>, vector<1x16xf32>,
      %swap3A_296 = vector.shape_cast %swap3A_295 : vector<1x16xf32> to vector<16xf32>
      %swap3A_297 = vector.shape_cast %select_n3A_291 : vector<16xf32> to vector<1x16xf32>
      tpu.vector_store %arg5[%swap3A_293, %swap3A_294], %swap3A_297 {strides = array<i32>} : memref<8x32xf32, #tpu.memory_space<vmem>>, vector<1x16xf32>,
      %eq3A_298 = arith.constant 7 : i32
      %eq3A_299 = vector.broadcast %eq3A_298 : i32 to vector<16xi32>
      %eq3A_300 = arith.cmpi eq, %select_n3A_107, %eq3A_299 : vector<16xi32>
      %eq3A_301 = arith.constant 7 : i32
      %eq3A_302 = vector.broadcast %eq3A_301 : i32 to vector<16xi32>
      %eq3A_303 = arith.cmpi eq, %select_n3A_182, %eq3A_302 : vector<16xi32>
      %broadcast_in_dim3A_304 = arith.constant 0.000000e+00 : f32
      %broadcast_in_dim3A_305 = vector.broadcast %broadcast_in_dim3A_304 : f32 to vector<16xf32>
      %select_n3A_306 = arith.select %eq3A_303, %div3A_186, %broadcast_in_dim3A_305 : vector<16xi1>, vector<16xf32>
      %select_n3A_307 = arith.select %eq3A_300, %div3A_185, %select_n3A_306 : vector<16xi1>, vector<16xf32>
      %swap3A_308 = arith.constant 7 : i32
      %swap3A_309 = arith.index_cast %swap3A_308 : i32 to index
      %swap3A_310 = arith.constant 0 : index
      %swap3A_311 = tpu.vector_load %arg5[%swap3A_309, %swap3A_310] {strides = array<i32>} : memref<8x32xf32, #tpu.memory_space<vmem>>, vector<1x16xf32>,
      %swap3A_312 = vector.shape_cast %swap3A_311 : vector<1x16xf32> to vector<16xf32>
      %swap3A_313 = vector.shape_cast %select_n3A_307 : vector<16xf32> to vector<1x16xf32>
      tpu.vector_store %arg5[%swap3A_309, %swap3A_310], %swap3A_313 {strides = array<i32>} : memref<8x32xf32, #tpu.memory_space<vmem>>, vector<1x16xf32>,
      %get3A_314 = arith.constant 0 : i32
      %get3A_315 = arith.index_cast %get3A_314 : i32 to index
      %get3A_316 = arith.constant 16 : index
      %get3A_317 = tpu.vector_load %arg4[%get3A_315, %get3A_316] {strides = array<i32>} : memref<8x32xf32, #tpu.memory_space<vmem>>, vector<1x16xf32>,
      %get3A_318 = vector.shape_cast %get3A_317 : vector<1x16xf32> to vector<16xf32>
      %get3A_319 = arith.constant 1 : i32
      %get3A_320 = arith.index_cast %get3A_319 : i32 to index
      %get3A_321 = arith.constant 16 : index
      %get3A_322 = tpu.vector_load %arg4[%get3A_320, %get3A_321] {strides = array<i32>} : memref<8x32xf32, #tpu.memory_space<vmem>>, vector<1x16xf32>,
      %get3A_323 = vector.shape_cast %get3A_322 : vector<1x16xf32> to vector<16xf32>
      %get3A_324 = arith.constant 2 : i32
      %get3A_325 = arith.index_cast %get3A_324 : i32 to index
      %get3A_326 = arith.constant 16 : index
      %get3A_327 = tpu.vector_load %arg4[%get3A_325, %get3A_326] {strides = array<i32>} : memref<8x32xf32, #tpu.memory_space<vmem>>, vector<1x16xf32>,
      %get3A_328 = vector.shape_cast %get3A_327 : vector<1x16xf32> to vector<16xf32>
      %get3A_329 = arith.constant 3 : i32
      %get3A_330 = arith.index_cast %get3A_329 : i32 to index
      %get3A_331 = arith.constant 16 : index
      %get3A_332 = tpu.vector_load %arg4[%get3A_330, %get3A_331] {strides = array<i32>} : memref<8x32xf32, #tpu.memory_space<vmem>>, vector<1x16xf32>,
      %get3A_333 = vector.shape_cast %get3A_332 : vector<1x16xf32> to vector<16xf32>
      %get3A_334 = arith.constant 4 : i32
      %get3A_335 = arith.index_cast %get3A_334 : i32 to index
      %get3A_336 = arith.constant 16 : index
      %get3A_337 = tpu.vector_load %arg4[%get3A_335, %get3A_336] {strides = array<i32>} : memref<8x32xf32, #tpu.memory_space<vmem>>, vector<1x16xf32>,
      %get3A_338 = vector.shape_cast %get3A_337 : vector<1x16xf32> to vector<16xf32>
      %get3A_339 = arith.constant 5 : i32
      %get3A_340 = arith.index_cast %get3A_339 : i32 to index
      %get3A_341 = arith.constant 16 : index
      %get3A_342 = tpu.vector_load %arg4[%get3A_340, %get3A_341] {strides = array<i32>} : memref<8x32xf32, #tpu.memory_space<vmem>>, vector<1x16xf32>,
      %get3A_343 = vector.shape_cast %get3A_342 : vector<1x16xf32> to vector<16xf32>
      %get3A_344 = arith.constant 6 : i32
      %get3A_345 = arith.index_cast %get3A_344 : i32 to index
      %get3A_346 = arith.constant 16 : index
      %get3A_347 = tpu.vector_load %arg4[%get3A_345, %get3A_346] {strides = array<i32>} : memref<8x32xf32, #tpu.memory_space<vmem>>, vector<1x16xf32>,
      %get3A_348 = vector.shape_cast %get3A_347 : vector<1x16xf32> to vector<16xf32>
      %get3A_349 = arith.constant 7 : i32
      %get3A_350 = arith.index_cast %get3A_349 : i32 to index
      %get3A_351 = arith.constant 16 : index
      %get3A_352 = tpu.vector_load %arg4[%get3A_350, %get3A_351] {strides = array<i32>} : memref<8x32xf32, #tpu.memory_space<vmem>>, vector<1x16xf32>,
      %get3A_353 = vector.shape_cast %get3A_352 : vector<1x16xf32> to vector<16xf32>
      %max3A_354 = arith.maximumf %get3A_318, %get3A_323 : vector<16xf32>
      %max3A_355 = arith.maximumf %max3A_354, %get3A_328 : vector<16xf32>
      %max3A_356 = arith.maximumf %max3A_355, %get3A_333 : vector<16xf32>
      %max3A_357 = arith.maximumf %max3A_356, %get3A_338 : vector<16xf32>
      %max3A_358 = arith.maximumf %max3A_357, %get3A_343 : vector<16xf32>
      %max3A_359 = arith.maximumf %max3A_358, %get3A_348 : vector<16xf32>
      %max3A_360 = arith.maximumf %max3A_359, %get3A_353 : vector<16xf32>
      %sub3A_361 = arith.subf %get3A_318, %max3A_360 : vector<16xf32>
      %exp3A_362 = math.exp %sub3A_361 : vector<16xf32>
      %sub3A_363 = arith.subf %get3A_323, %max3A_360 : vector<16xf32>
      %exp3A_364 = math.exp %sub3A_363 : vector<16xf32>
      %sub3A_365 = arith.subf %get3A_328, %max3A_360 : vector<16xf32>
      %exp3A_366 = math.exp %sub3A_365 : vector<16xf32>
      %sub3A_367 = arith.subf %get3A_333, %max3A_360 : vector<16xf32>
      %exp3A_368 = math.exp %sub3A_367 : vector<16xf32>
      %sub3A_369 = arith.subf %get3A_338, %max3A_360 : vector<16xf32>
      %exp3A_370 = math.exp %sub3A_369 : vector<16xf32>
      %sub3A_371 = arith.subf %get3A_343, %max3A_360 : vector<16xf32>
      %exp3A_372 = math.exp %sub3A_371 : vector<16xf32>
      %sub3A_373 = arith.subf %get3A_348, %max3A_360 : vector<16xf32>
      %exp3A_374 = math.exp %sub3A_373 : vector<16xf32>
      %sub3A_375 = arith.subf %get3A_353, %max3A_360 : vector<16xf32>
      %exp3A_376 = math.exp %sub3A_375 : vector<16xf32>
      %add3A_377 = arith.addf %exp3A_362, %exp3A_364 : vector<16xf32>
      %add3A_378 = arith.addf %add3A_377, %exp3A_366 : vector<16xf32>
      %add3A_379 = arith.addf %add3A_378, %exp3A_368 : vector<16xf32>
      %add3A_380 = arith.addf %add3A_379, %exp3A_370 : vector<16xf32>
      %add3A_381 = arith.addf %add3A_380, %exp3A_372 : vector<16xf32>
      %add3A_382 = arith.addf %add3A_381, %exp3A_374 : vector<16xf32>
      %add3A_383 = arith.addf %add3A_382, %exp3A_376 : vector<16xf32>
      %div3A_384 = arith.divf %exp3A_362, %add3A_383 : vector<16xf32>
      %div3A_385 = arith.divf %exp3A_364, %add3A_383 : vector<16xf32>
      %div3A_386 = arith.divf %exp3A_366, %add3A_383 : vector<16xf32>
      %div3A_387 = arith.divf %exp3A_368, %add3A_383 : vector<16xf32>
      %div3A_388 = arith.divf %exp3A_370, %add3A_383 : vector<16xf32>
      %div3A_389 = arith.divf %exp3A_372, %add3A_383 : vector<16xf32>
      %div3A_390 = arith.divf %exp3A_374, %add3A_383 : vector<16xf32>
      %div3A_391 = arith.divf %exp3A_376, %add3A_383 : vector<16xf32>
      %broadcast_in_dim3A_392 = arith.constant 0 : i32
      %broadcast_in_dim3A_393 = vector.broadcast %broadcast_in_dim3A_392 : i32 to vector<16xi32>
      %gt3A_394 = arith.cmpf ogt, %div3A_385, %div3A_384 : vector<16xf32>
      %jit3A_395 = arith.constant 1 : i32
      %broadcast_in_dim3A_396 = vector.broadcast %jit3A_395 : i32 to vector<16xi32>
      %select_n3A_397 = arith.select %gt3A_394, %broadcast_in_dim3A_396, %broadcast_in_dim3A_393 : vector<16xi1>, vector<16xi32>
      %select_n3A_398 = arith.select %gt3A_394, %div3A_385, %div3A_384 : vector<16xi1>, vector<16xf32>
      %gt3A_399 = arith.cmpf ogt, %div3A_386, %select_n3A_398 : vector<16xf32>
      %jit3A_400 = arith.constant 2 : i32
      %broadcast_in_dim3A_401 = vector.broadcast %jit3A_400 : i32 to vector<16xi32>
      %select_n3A_402 = arith.select %gt3A_399, %broadcast_in_dim3A_401, %select_n3A_397 : vector<16xi1>, vector<16xi32>
      %select_n3A_403 = arith.select %gt3A_399, %div3A_386, %select_n3A_398 : vector<16xi1>, vector<16xf32>
      %gt3A_404 = arith.cmpf ogt, %div3A_387, %select_n3A_403 : vector<16xf32>
      %jit3A_405 = arith.constant 3 : i32
      %broadcast_in_dim3A_406 = vector.broadcast %jit3A_405 : i32 to vector<16xi32>
      %select_n3A_407 = arith.select %gt3A_404, %broadcast_in_dim3A_406, %select_n3A_402 : vector<16xi1>, vector<16xi32>
      %select_n3A_408 = arith.select %gt3A_404, %div3A_387, %select_n3A_403 : vector<16xi1>, vector<16xf32>
      %gt3A_409 = arith.cmpf ogt, %div3A_388, %select_n3A_408 : vector<16xf32>
      %jit3A_410 = arith.constant 4 : i32
      %broadcast_in_dim3A_411 = vector.broadcast %jit3A_410 : i32 to vector<16xi32>
      %select_n3A_412 = arith.select %gt3A_409, %broadcast_in_dim3A_411, %select_n3A_407 : vector<16xi1>, vector<16xi32>
      %select_n3A_413 = arith.select %gt3A_409, %div3A_388, %select_n3A_408 : vector<16xi1>, vector<16xf32>
      %gt3A_414 = arith.cmpf ogt, %div3A_389, %select_n3A_413 : vector<16xf32>
      %jit3A_415 = arith.constant 5 : i32
      %broadcast_in_dim3A_416 = vector.broadcast %jit3A_415 : i32 to vector<16xi32>
      %select_n3A_417 = arith.select %gt3A_414, %broadcast_in_dim3A_416, %select_n3A_412 : vector<16xi1>, vector<16xi32>
      %select_n3A_418 = arith.select %gt3A_414, %div3A_389, %select_n3A_413 : vector<16xi1>, vector<16xf32>
      %gt3A_419 = arith.cmpf ogt, %div3A_390, %select_n3A_418 : vector<16xf32>
      %jit3A_420 = arith.constant 6 : i32
      %broadcast_in_dim3A_421 = vector.broadcast %jit3A_420 : i32 to vector<16xi32>
      %select_n3A_422 = arith.select %gt3A_419, %broadcast_in_dim3A_421, %select_n3A_417 : vector<16xi1>, vector<16xi32>
      %select_n3A_423 = arith.select %gt3A_419, %div3A_390, %select_n3A_418 : vector<16xi1>, vector<16xf32>
      %gt3A_424 = arith.cmpf ogt, %div3A_391, %select_n3A_423 : vector<16xf32>
      %jit3A_425 = arith.constant 7 : i32
      %broadcast_in_dim3A_426 = vector.broadcast %jit3A_425 : i32 to vector<16xi32>
      %select_n3A_427 = arith.select %gt3A_424, %broadcast_in_dim3A_426, %select_n3A_422 : vector<16xi1>, vector<16xi32>
      %select_n3A_428 = arith.select %gt3A_424, %div3A_391, %select_n3A_423 : vector<16xi1>, vector<16xf32>
      %broadcast_in_dim3A_429 = arith.constant -1.000000e+00 : f32
      %broadcast_in_dim3A_430 = vector.broadcast %broadcast_in_dim3A_429 : f32 to vector<16xf32>
      %broadcast_in_dim3A_431 = arith.constant 0 : i32
      %broadcast_in_dim3A_432 = vector.broadcast %broadcast_in_dim3A_431 : i32 to vector<16xi32>
      %ne3A_433 = arith.constant 0 : i32
      %ne3A_434 = vector.broadcast %ne3A_433 : i32 to vector<16xi32>
      %ne3A_435 = arith.cmpi ne, %select_n3A_427, %ne3A_434 : vector<16xi32>
      %gt3A_436 = arith.cmpf ogt, %div3A_384, %broadcast_in_dim3A_430 : vector<16xf32>
      %and3A_437 = arith.andi %ne3A_435, %gt3A_436 : vector<16xi1>
      %jit3A_438 = arith.constant 0 : i32
      %broadcast_in_dim3A_439 = vector.broadcast %jit3A_438 : i32 to vector<16xi32>
      %select_n3A_440 = arith.select %and3A_437, %broadcast_in_dim3A_439, %broadcast_in_dim3A_432 : vector<16xi1>, vector<16xi32>
      %select_n3A_441 = arith.select %and3A_437, %div3A_384, %broadcast_in_dim3A_430 : vector<16xi1>, vector<16xf32>
      %ne3A_442 = arith.constant 1 : i32
      %ne3A_443 = vector.broadcast %ne3A_442 : i32 to vector<16xi32>
      %ne3A_444 = arith.cmpi ne, %select_n3A_427, %ne3A_443 : vector<16xi32>
      %gt3A_445 = arith.cmpf ogt, %div3A_385, %select_n3A_441 : vector<16xf32>
      %and3A_446 = arith.andi %ne3A_444, %gt3A_445 : vector<16xi1>
      %jit3A_447 = arith.constant 1 : i32
      %broadcast_in_dim3A_448 = vector.broadcast %jit3A_447 : i32 to vector<16xi32>
      %select_n3A_449 = arith.select %and3A_446, %broadcast_in_dim3A_448, %select_n3A_440 : vector<16xi1>, vector<16xi32>
      %select_n3A_450 = arith.select %and3A_446, %div3A_385, %select_n3A_441 : vector<16xi1>, vector<16xf32>
      %ne3A_451 = arith.constant 2 : i32
      %ne3A_452 = vector.broadcast %ne3A_451 : i32 to vector<16xi32>
      %ne3A_453 = arith.cmpi ne, %select_n3A_427, %ne3A_452 : vector<16xi32>
      %gt3A_454 = arith.cmpf ogt, %div3A_386, %select_n3A_450 : vector<16xf32>
      %and3A_455 = arith.andi %ne3A_453, %gt3A_454 : vector<16xi1>
      %jit3A_456 = arith.constant 2 : i32
      %broadcast_in_dim3A_457 = vector.broadcast %jit3A_456 : i32 to vector<16xi32>
      %select_n3A_458 = arith.select %and3A_455, %broadcast_in_dim3A_457, %select_n3A_449 : vector<16xi1>, vector<16xi32>
      %select_n3A_459 = arith.select %and3A_455, %div3A_386, %select_n3A_450 : vector<16xi1>, vector<16xf32>
      %ne3A_460 = arith.constant 3 : i32
      %ne3A_461 = vector.broadcast %ne3A_460 : i32 to vector<16xi32>
      %ne3A_462 = arith.cmpi ne, %select_n3A_427, %ne3A_461 : vector<16xi32>
      %gt3A_463 = arith.cmpf ogt, %div3A_387, %select_n3A_459 : vector<16xf32>
      %and3A_464 = arith.andi %ne3A_462, %gt3A_463 : vector<16xi1>
      %jit3A_465 = arith.constant 3 : i32
      %broadcast_in_dim3A_466 = vector.broadcast %jit3A_465 : i32 to vector<16xi32>
      %select_n3A_467 = arith.select %and3A_464, %broadcast_in_dim3A_466, %select_n3A_458 : vector<16xi1>, vector<16xi32>
      %select_n3A_468 = arith.select %and3A_464, %div3A_387, %select_n3A_459 : vector<16xi1>, vector<16xf32>
      %ne3A_469 = arith.constant 4 : i32
      %ne3A_470 = vector.broadcast %ne3A_469 : i32 to vector<16xi32>
      %ne3A_471 = arith.cmpi ne, %select_n3A_427, %ne3A_470 : vector<16xi32>
      %gt3A_472 = arith.cmpf ogt, %div3A_388, %select_n3A_468 : vector<16xf32>
      %and3A_473 = arith.andi %ne3A_471, %gt3A_472 : vector<16xi1>
      %jit3A_474 = arith.constant 4 : i32
      %broadcast_in_dim3A_475 = vector.broadcast %jit3A_474 : i32 to vector<16xi32>
      %select_n3A_476 = arith.select %and3A_473, %broadcast_in_dim3A_475, %select_n3A_467 : vector<16xi1>, vector<16xi32>
      %select_n3A_477 = arith.select %and3A_473, %div3A_388, %select_n3A_468 : vector<16xi1>, vector<16xf32>
      %ne3A_478 = arith.constant 5 : i32
      %ne3A_479 = vector.broadcast %ne3A_478 : i32 to vector<16xi32>
      %ne3A_480 = arith.cmpi ne, %select_n3A_427, %ne3A_479 : vector<16xi32>
      %gt3A_481 = arith.cmpf ogt, %div3A_389, %select_n3A_477 : vector<16xf32>
      %and3A_482 = arith.andi %ne3A_480, %gt3A_481 : vector<16xi1>
      %jit3A_483 = arith.constant 5 : i32
      %broadcast_in_dim3A_484 = vector.broadcast %jit3A_483 : i32 to vector<16xi32>
      %select_n3A_485 = arith.select %and3A_482, %broadcast_in_dim3A_484, %select_n3A_476 : vector<16xi1>, vector<16xi32>
      %select_n3A_486 = arith.select %and3A_482, %div3A_389, %select_n3A_477 : vector<16xi1>, vector<16xf32>
      %ne3A_487 = arith.constant 6 : i32
      %ne3A_488 = vector.broadcast %ne3A_487 : i32 to vector<16xi32>
      %ne3A_489 = arith.cmpi ne, %select_n3A_427, %ne3A_488 : vector<16xi32>
      %gt3A_490 = arith.cmpf ogt, %div3A_390, %select_n3A_486 : vector<16xf32>
      %and3A_491 = arith.andi %ne3A_489, %gt3A_490 : vector<16xi1>
      %jit3A_492 = arith.constant 6 : i32
      %broadcast_in_dim3A_493 = vector.broadcast %jit3A_492 : i32 to vector<16xi32>
      %select_n3A_494 = arith.select %and3A_491, %broadcast_in_dim3A_493, %select_n3A_485 : vector<16xi1>, vector<16xi32>
      %select_n3A_495 = arith.select %and3A_491, %div3A_390, %select_n3A_486 : vector<16xi1>, vector<16xf32>
      %ne3A_496 = arith.constant 7 : i32
      %ne3A_497 = vector.broadcast %ne3A_496 : i32 to vector<16xi32>
      %ne3A_498 = arith.cmpi ne, %select_n3A_427, %ne3A_497 : vector<16xi32>
      %gt3A_499 = arith.cmpf ogt, %div3A_391, %select_n3A_495 : vector<16xf32>
      %and3A_500 = arith.andi %ne3A_498, %gt3A_499 : vector<16xi1>
      %jit3A_501 = arith.constant 7 : i32
      %broadcast_in_dim3A_502 = vector.broadcast %jit3A_501 : i32 to vector<16xi32>
      %select_n3A_503 = arith.select %and3A_500, %broadcast_in_dim3A_502, %select_n3A_494 : vector<16xi1>, vector<16xi32>
      %select_n3A_504 = arith.select %and3A_500, %div3A_391, %select_n3A_495 : vector<16xi1>, vector<16xf32>
      %add3A_505 = arith.addf %select_n3A_428, %select_n3A_504 : vector<16xf32>
      %div3A_506 = arith.divf %select_n3A_428, %add3A_505 : vector<16xf32>
      %div3A_507 = arith.divf %select_n3A_504, %add3A_505 : vector<16xf32>
      %eq3A_508 = arith.constant 0 : i32
      %eq3A_509 = vector.broadcast %eq3A_508 : i32 to vector<16xi32>
      %eq3A_510 = arith.cmpi eq, %select_n3A_427, %eq3A_509 : vector<16xi32>
      %eq3A_511 = arith.constant 0 : i32
      %eq3A_512 = vector.broadcast %eq3A_511 : i32 to vector<16xi32>
      %eq3A_513 = arith.cmpi eq, %select_n3A_503, %eq3A_512 : vector<16xi32>
      %broadcast_in_dim3A_514 = arith.constant 0.000000e+00 : f32
      %broadcast_in_dim3A_515 = vector.broadcast %broadcast_in_dim3A_514 : f32 to vector<16xf32>
      %select_n3A_516 = arith.select %eq3A_513, %div3A_507, %broadcast_in_dim3A_515 : vector<16xi1>, vector<16xf32>
      %select_n3A_517 = arith.select %eq3A_510, %div3A_506, %select_n3A_516 : vector<16xi1>, vector<16xf32>
      %swap3A_518 = arith.constant 0 : i32
      %swap3A_519 = arith.index_cast %swap3A_518 : i32 to index
      %swap3A_520 = arith.constant 16 : index
      %swap3A_521 = tpu.vector_load %arg5[%swap3A_519, %swap3A_520] {strides = array<i32>} : memref<8x32xf32, #tpu.memory_space<vmem>>, vector<1x16xf32>,
      %swap3A_522 = vector.shape_cast %swap3A_521 : vector<1x16xf32> to vector<16xf32>
      %swap3A_523 = vector.shape_cast %select_n3A_517 : vector<16xf32> to vector<1x16xf32>
      tpu.vector_store %arg5[%swap3A_519, %swap3A_520], %swap3A_523 {strides = array<i32>} : memref<8x32xf32, #tpu.memory_space<vmem>>, vector<1x16xf32>,
      %eq3A_524 = arith.constant 1 : i32
      %eq3A_525 = vector.broadcast %eq3A_524 : i32 to vector<16xi32>
      %eq3A_526 = arith.cmpi eq, %select_n3A_427, %eq3A_525 : vector<16xi32>
      %eq3A_527 = arith.constant 1 : i32
      %eq3A_528 = vector.broadcast %eq3A_527 : i32 to vector<16xi32>
      %eq3A_529 = arith.cmpi eq, %select_n3A_503, %eq3A_528 : vector<16xi32>
      %broadcast_in_dim3A_530 = arith.constant 0.000000e+00 : f32
      %broadcast_in_dim3A_531 = vector.broadcast %broadcast_in_dim3A_530 : f32 to vector<16xf32>
      %select_n3A_532 = arith.select %eq3A_529, %div3A_507, %broadcast_in_dim3A_531 : vector<16xi1>, vector<16xf32>
      %select_n3A_533 = arith.select %eq3A_526, %div3A_506, %select_n3A_532 : vector<16xi1>, vector<16xf32>
      %swap3A_534 = arith.constant 1 : i32
      %swap3A_535 = arith.index_cast %swap3A_534 : i32 to index
      %swap3A_536 = arith.constant 16 : index
      %swap3A_537 = tpu.vector_load %arg5[%swap3A_535, %swap3A_536] {strides = array<i32>} : memref<8x32xf32, #tpu.memory_space<vmem>>, vector<1x16xf32>,
      %swap3A_538 = vector.shape_cast %swap3A_537 : vector<1x16xf32> to vector<16xf32>
      %swap3A_539 = vector.shape_cast %select_n3A_533 : vector<16xf32> to vector<1x16xf32>
      tpu.vector_store %arg5[%swap3A_535, %swap3A_536], %swap3A_539 {strides = array<i32>} : memref<8x32xf32, #tpu.memory_space<vmem>>, vector<1x16xf32>,
      %eq3A_540 = arith.constant 2 : i32
      %eq3A_541 = vector.broadcast %eq3A_540 : i32 to vector<16xi32>
      %eq3A_542 = arith.cmpi eq, %select_n3A_427, %eq3A_541 : vector<16xi32>
      %eq3A_543 = arith.constant 2 : i32
      %eq3A_544 = vector.broadcast %eq3A_543 : i32 to vector<16xi32>
      %eq3A_545 = arith.cmpi eq, %select_n3A_503, %eq3A_544 : vector<16xi32>
      %broadcast_in_dim3A_546 = arith.constant 0.000000e+00 : f32
      %broadcast_in_dim3A_547 = vector.broadcast %broadcast_in_dim3A_546 : f32 to vector<16xf32>
      %select_n3A_548 = arith.select %eq3A_545, %div3A_507, %broadcast_in_dim3A_547 : vector<16xi1>, vector<16xf32>
      %select_n3A_549 = arith.select %eq3A_542, %div3A_506, %select_n3A_548 : vector<16xi1>, vector<16xf32>
      %swap3A_550 = arith.constant 2 : i32
      %swap3A_551 = arith.index_cast %swap3A_550 : i32 to index
      %swap3A_552 = arith.constant 16 : index
      %swap3A_553 = tpu.vector_load %arg5[%swap3A_551, %swap3A_552] {strides = array<i32>} : memref<8x32xf32, #tpu.memory_space<vmem>>, vector<1x16xf32>,
      %swap3A_554 = vector.shape_cast %swap3A_553 : vector<1x16xf32> to vector<16xf32>
      %swap3A_555 = vector.shape_cast %select_n3A_549 : vector<16xf32> to vector<1x16xf32>
      tpu.vector_store %arg5[%swap3A_551, %swap3A_552], %swap3A_555 {strides = array<i32>} : memref<8x32xf32, #tpu.memory_space<vmem>>, vector<1x16xf32>,
      %eq3A_556 = arith.constant 3 : i32
      %eq3A_557 = vector.broadcast %eq3A_556 : i32 to vector<16xi32>
      %eq3A_558 = arith.cmpi eq, %select_n3A_427, %eq3A_557 : vector<16xi32>
      %eq3A_559 = arith.constant 3 : i32
      %eq3A_560 = vector.broadcast %eq3A_559 : i32 to vector<16xi32>
      %eq3A_561 = arith.cmpi eq, %select_n3A_503, %eq3A_560 : vector<16xi32>
      %broadcast_in_dim3A_562 = arith.constant 0.000000e+00 : f32
      %broadcast_in_dim3A_563 = vector.broadcast %broadcast_in_dim3A_562 : f32 to vector<16xf32>
      %select_n3A_564 = arith.select %eq3A_561, %div3A_507, %broadcast_in_dim3A_563 : vector<16xi1>, vector<16xf32>
      %select_n3A_565 = arith.select %eq3A_558, %div3A_506, %select_n3A_564 : vector<16xi1>, vector<16xf32>
      %swap3A_566 = arith.constant 3 : i32
      %swap3A_567 = arith.index_cast %swap3A_566 : i32 to index
      %swap3A_568 = arith.constant 16 : index
      %swap3A_569 = tpu.vector_load %arg5[%swap3A_567, %swap3A_568] {strides = array<i32>} : memref<8x32xf32, #tpu.memory_space<vmem>>, vector<1x16xf32>,
      %swap3A_570 = vector.shape_cast %swap3A_569 : vector<1x16xf32> to vector<16xf32>
      %swap3A_571 = vector.shape_cast %select_n3A_565 : vector<16xf32> to vector<1x16xf32>
      tpu.vector_store %arg5[%swap3A_567, %swap3A_568], %swap3A_571 {strides = array<i32>} : memref<8x32xf32, #tpu.memory_space<vmem>>, vector<1x16xf32>,
      %eq3A_572 = arith.constant 4 : i32
      %eq3A_573 = vector.broadcast %eq3A_572 : i32 to vector<16xi32>
      %eq3A_574 = arith.cmpi eq, %select_n3A_427, %eq3A_573 : vector<16xi32>
      %eq3A_575 = arith.constant 4 : i32
      %eq3A_576 = vector.broadcast %eq3A_575 : i32 to vector<16xi32>
      %eq3A_577 = arith.cmpi eq, %select_n3A_503, %eq3A_576 : vector<16xi32>
      %broadcast_in_dim3A_578 = arith.constant 0.000000e+00 : f32
      %broadcast_in_dim3A_579 = vector.broadcast %broadcast_in_dim3A_578 : f32 to vector<16xf32>
      %select_n3A_580 = arith.select %eq3A_577, %div3A_507, %broadcast_in_dim3A_579 : vector<16xi1>, vector<16xf32>
      %select_n3A_581 = arith.select %eq3A_574, %div3A_506, %select_n3A_580 : vector<16xi1>, vector<16xf32>
      %swap3A_582 = arith.constant 4 : i32
      %swap3A_583 = arith.index_cast %swap3A_582 : i32 to index
      %swap3A_584 = arith.constant 16 : index
      %swap3A_585 = tpu.vector_load %arg5[%swap3A_583, %swap3A_584] {strides = array<i32>} : memref<8x32xf32, #tpu.memory_space<vmem>>, vector<1x16xf32>,
      %swap3A_586 = vector.shape_cast %swap3A_585 : vector<1x16xf32> to vector<16xf32>
      %swap3A_587 = vector.shape_cast %select_n3A_581 : vector<16xf32> to vector<1x16xf32>
      tpu.vector_store %arg5[%swap3A_583, %swap3A_584], %swap3A_587 {strides = array<i32>} : memref<8x32xf32, #tpu.memory_space<vmem>>, vector<1x16xf32>,
      %eq3A_588 = arith.constant 5 : i32
      %eq3A_589 = vector.broadcast %eq3A_588 : i32 to vector<16xi32>
      %eq3A_590 = arith.cmpi eq, %select_n3A_427, %eq3A_589 : vector<16xi32>
      %eq3A_591 = arith.constant 5 : i32
      %eq3A_592 = vector.broadcast %eq3A_591 : i32 to vector<16xi32>
      %eq3A_593 = arith.cmpi eq, %select_n3A_503, %eq3A_592 : vector<16xi32>
      %broadcast_in_dim3A_594 = arith.constant 0.000000e+00 : f32
      %broadcast_in_dim3A_595 = vector.broadcast %broadcast_in_dim3A_594 : f32 to vector<16xf32>
      %select_n3A_596 = arith.select %eq3A_593, %div3A_507, %broadcast_in_dim3A_595 : vector<16xi1>, vector<16xf32>
      %select_n3A_597 = arith.select %eq3A_590, %div3A_506, %select_n3A_596 : vector<16xi1>, vector<16xf32>
      %swap3A_598 = arith.constant 5 : i32
      %swap3A_599 = arith.index_cast %swap3A_598 : i32 to index
      %swap3A_600 = arith.constant 16 : index
      %swap3A_601 = tpu.vector_load %arg5[%swap3A_599, %swap3A_600] {strides = array<i32>} : memref<8x32xf32, #tpu.memory_space<vmem>>, vector<1x16xf32>,
      %swap3A_602 = vector.shape_cast %swap3A_601 : vector<1x16xf32> to vector<16xf32>
      %swap3A_603 = vector.shape_cast %select_n3A_597 : vector<16xf32> to vector<1x16xf32>
      tpu.vector_store %arg5[%swap3A_599, %swap3A_600], %swap3A_603 {strides = array<i32>} : memref<8x32xf32, #tpu.memory_space<vmem>>, vector<1x16xf32>,
      %eq3A_604 = arith.constant 6 : i32
      %eq3A_605 = vector.broadcast %eq3A_604 : i32 to vector<16xi32>
      %eq3A_606 = arith.cmpi eq, %select_n3A_427, %eq3A_605 : vector<16xi32>
      %eq3A_607 = arith.constant 6 : i32
      %eq3A_608 = vector.broadcast %eq3A_607 : i32 to vector<16xi32>
      %eq3A_609 = arith.cmpi eq, %select_n3A_503, %eq3A_608 : vector<16xi32>
      %broadcast_in_dim3A_610 = arith.constant 0.000000e+00 : f32
      %broadcast_in_dim3A_611 = vector.broadcast %broadcast_in_dim3A_610 : f32 to vector<16xf32>
      %select_n3A_612 = arith.select %eq3A_609, %div3A_507, %broadcast_in_dim3A_611 : vector<16xi1>, vector<16xf32>
      %select_n3A_613 = arith.select %eq3A_606, %div3A_506, %select_n3A_612 : vector<16xi1>, vector<16xf32>
      %swap3A_614 = arith.constant 6 : i32
      %swap3A_615 = arith.index_cast %swap3A_614 : i32 to index
      %swap3A_616 = arith.constant 16 : index
      %swap3A_617 = tpu.vector_load %arg5[%swap3A_615, %swap3A_616] {strides = array<i32>} : memref<8x32xf32, #tpu.memory_space<vmem>>, vector<1x16xf32>,
      %swap3A_618 = vector.shape_cast %swap3A_617 : vector<1x16xf32> to vector<16xf32>
      %swap3A_619 = vector.shape_cast %select_n3A_613 : vector<16xf32> to vector<1x16xf32>
      tpu.vector_store %arg5[%swap3A_615, %swap3A_616], %swap3A_619 {strides = array<i32>} : memref<8x32xf32, #tpu.memory_space<vmem>>, vector<1x16xf32>,
      %eq3A_620 = arith.constant 7 : i32
      %eq3A_621 = vector.broadcast %eq3A_620 : i32 to vector<16xi32>
      %eq3A_622 = arith.cmpi eq, %select_n3A_427, %eq3A_621 : vector<16xi32>
      %eq3A_623 = arith.constant 7 : i32
      %eq3A_624 = vector.broadcast %eq3A_623 : i32 to vector<16xi32>
      %eq3A_625 = arith.cmpi eq, %select_n3A_503, %eq3A_624 : vector<16xi32>
      %broadcast_in_dim3A_626 = arith.constant 0.000000e+00 : f32
      %broadcast_in_dim3A_627 = vector.broadcast %broadcast_in_dim3A_626 : f32 to vector<16xf32>
      %select_n3A_628 = arith.select %eq3A_625, %div3A_507, %broadcast_in_dim3A_627 : vector<16xi1>, vector<16xf32>
      %select_n3A_629 = arith.select %eq3A_622, %div3A_506, %select_n3A_628 : vector<16xi1>, vector<16xf32>
      %swap3A_630 = arith.constant 7 : i32
      %swap3A_631 = arith.index_cast %swap3A_630 : i32 to index
      %swap3A_632 = arith.constant 16 : index
      %swap3A_633 = tpu.vector_load %arg5[%swap3A_631, %swap3A_632] {strides = array<i32>} : memref<8x32xf32, #tpu.memory_space<vmem>>, vector<1x16xf32>,
      %swap3A_634 = vector.shape_cast %swap3A_633 : vector<1x16xf32> to vector<16xf32>
      %swap3A_635 = vector.shape_cast %select_n3A_629 : vector<16xf32> to vector<1x16xf32>
      tpu.vector_store %arg5[%swap3A_631, %swap3A_632], %swap3A_635 {strides = array<i32>} : memref<8x32xf32, #tpu.memory_space<vmem>>, vector<1x16xf32>,
      "tpu.region"() ({
        %run_scoped3A = tpu.sem_alloc : memref<!tpu.dma_semaphore, #tpu.memory_space<semaphore_mem>>
        tpu.enqueue_dma source(%arg5 : memref<8x32xf32, #tpu.memory_space<vmem>>) target(%arg3 : memref<8x32xf32, #tpu.memory_space<hbm>>) target_semaphore(%run_scoped3A : memref<!tpu.dma_semaphore, #tpu.memory_space<semaphore_mem>>)
        tpu.wait_dma2 semaphore(%run_scoped3A : memref<!tpu.dma_semaphore, #tpu.memory_space<semaphore_mem>>) src(%arg5 : memref<8x32xf32, #tpu.memory_space<vmem>>) dst(%arg3 : memref<8x32xf32, #tpu.memory_space<hbm>>)
        tpu.yield
      }) : () -> ()
    } else {
    }
    return
  }
}

module attributes {stable_mosaic.version = 14 : i64} {
  func.func @_tc_actA_body(%arg0: i32, %arg1: i32, %arg2: memref<32x1024xf32, #tpu.memory_space<vmem>>, %arg3: memref<1x1x1408x1024xf32, #tpu.memory_space<vmem>>, %arg4: memref<1x1x1408x1024xf32, #tpu.memory_space<vmem>>, %arg5: memref<1x32x1408xf32, #tpu.memory_space<vmem>>) attributes {dimension_semantics = [#tpu.dimension_semantics<parallel>, #tpu.dimension_semantics<parallel>], iteration_bounds = array<i64: 8, 2>, scalar_prefetch = 0 : i64, scratch_operands = 0 : i64, tpu.core_type = #tpu.core_type<tc>, window_params = [{pipeline_mode = #tpu.pipeline_mode<synchronous>, transform_indices = @transform_0, window_bounds = array<i64: 32, 1024>}, {transform_indices = @transform_1, window_bounds = array<i64: 1, 1, 1408, 1024>}, {transform_indices = @transform_2, window_bounds = array<i64: 1, 1, 1408, 1024>}, {transform_indices = @transform_3, window_bounds = array<i64: 1, 32, 1408>}]} {
    %get3A = arith.constant 0 : index
    %get3A_0 = arith.constant 0 : index
    %get3A_1 = vector.load %arg2[%get3A, %get3A_0] : memref<32x1024xf32, #tpu.memory_space<vmem>>, vector<32x1024xf32>
    %get3A_2 = arith.constant 0 : index
    %get3A_3 = arith.constant 0 : index
    %get3A_4 = arith.constant 0 : index
    %get3A_5 = arith.constant 0 : index
    %get3A_6 = vector.load %arg3[%get3A_2, %get3A_3, %get3A_4, %get3A_5] : memref<1x1x1408x1024xf32, #tpu.memory_space<vmem>>, vector<1x1x1408x1024xf32>
    %get3A_7 = vector.shape_cast %get3A_6 : vector<1x1x1408x1024xf32> to vector<1408x1024xf32>
    %dot_general3A = arith.constant dense<0.000000e+00> : vector<32x1408xf32>
    %dot_general3A_8 = tpu.matmul %get3A_1, %get3A_7, %dot_general3A {dimension_numbers = #tpu.dot_dimension_numbers<[1], [1], [0], [0], [0, 0, 1, 0], [], []>, transpose_lhs_hint = false} : vector<32x1024xf32>, vector<1408x1024xf32>, vector<32x1408xf32> -> vector<32x1408xf32>
    %get3A_9 = arith.constant 0 : index
    %get3A_10 = arith.constant 0 : index
    %get3A_11 = arith.constant 0 : index
    %get3A_12 = arith.constant 0 : index
    %get3A_13 = vector.load %arg4[%get3A_9, %get3A_10, %get3A_11, %get3A_12] : memref<1x1x1408x1024xf32, #tpu.memory_space<vmem>>, vector<1x1x1408x1024xf32>
    %get3A_14 = vector.shape_cast %get3A_13 : vector<1x1x1408x1024xf32> to vector<1408x1024xf32>
    %dot_general3A_15 = arith.constant dense<0.000000e+00> : vector<32x1408xf32>
    %dot_general3A_16 = tpu.matmul %get3A_1, %get3A_14, %dot_general3A_15 {dimension_numbers = #tpu.dot_dimension_numbers<[1], [1], [0], [0], [0, 0, 1, 0], [], []>, transpose_lhs_hint = false} : vector<32x1024xf32>, vector<1408x1024xf32>, vector<32x1408xf32> -> vector<32x1408xf32>
    %logistic3A = arith.negf %dot_general3A_8 : vector<32x1408xf32>
    %logistic3A_17 = math.exp %logistic3A : vector<32x1408xf32>
    %logistic3A_18 = arith.constant 1.000000e+00 : f32
    %logistic3A_19 = vector.broadcast %logistic3A_18 : f32 to vector<32x1408xf32>
    %logistic3A_20 = arith.addf %logistic3A_19, %logistic3A_17 : vector<32x1408xf32>
    %logistic3A_21 = arith.divf %logistic3A_19, %logistic3A_20 : vector<32x1408xf32>
    %mul3A = arith.mulf %dot_general3A_8, %logistic3A_21 : vector<32x1408xf32>
    %mul3A_22 = arith.mulf %mul3A, %dot_general3A_16 : vector<32x1408xf32>
    %swap3A = arith.constant 0 : index
    %swap3A_23 = arith.constant 0 : index
    %swap3A_24 = arith.constant 0 : index
    %swap3A_25 = vector.load %arg5[%swap3A, %swap3A_23, %swap3A_24] : memref<1x32x1408xf32, #tpu.memory_space<vmem>>, vector<1x32x1408xf32>
    %swap3A_26 = vector.shape_cast %swap3A_25 : vector<1x32x1408xf32> to vector<32x1408xf32>
    %swap3A_27 = vector.shape_cast %mul3A_22 : vector<32x1408xf32> to vector<1x32x1408xf32>
    tpu.vector_store %arg5[%swap3A, %swap3A_23, %swap3A_24], %swap3A_27 {strides = array<i32>} : memref<1x32x1408xf32, #tpu.memory_space<vmem>>, vector<1x32x1408xf32>,
    return
  }
  func.func @transform_0(%arg0: i32, %arg1: i32) -> (i32, i32) {
    %c0_i32 = arith.constant 0 : i32
    %c0_i32_0 = arith.constant 0 : i32
    %c0_i32_1 = arith.constant 0 : i32
    return %c0_i32, %c0_i32_0 : i32, i32
  }
  func.func @transform_1(%arg0: i32, %arg1: i32) -> (i32, i32, i32, i32) {
    %c0_i32 = arith.constant 0 : i32
    %c0_i32_0 = arith.constant 0 : i32
    %c0_i32_1 = arith.constant 0 : i32
    return %arg0, %c0_i32, %arg1, %c0_i32_0 : i32, i32, i32, i32
  }
  func.func @transform_2(%arg0: i32, %arg1: i32) -> (i32, i32, i32, i32) {
    %c1_i32 = arith.constant 1 : i32
    %c0_i32 = arith.constant 0 : i32
    %c0_i32_0 = arith.constant 0 : i32
    return %arg0, %c1_i32, %arg1, %c0_i32 : i32, i32, i32, i32
  }
  func.func @transform_3(%arg0: i32, %arg1: i32) -> (i32, i32, i32) {
    %c0_i32 = arith.constant 0 : i32
    %c0_i32_0 = arith.constant 0 : i32
    return %arg0, %c0_i32, %arg1 : i32, i32, i32
  }
}

module attributes {stable_mosaic.version = 14 : i64} {
  func.func @_tc_downB_body(%arg0: i32, %arg1: i32, %arg2: memref<8x32x2816xf32, #tpu.memory_space<vmem>>, %arg3: memref<8x32x1xf32, #tpu.memory_space<vmem>>, %arg4: memref<1x512x2816xf32, #tpu.memory_space<vmem>>, %arg5: memref<32x512xf32, #tpu.memory_space<vmem>>) attributes {dimension_semantics = [#tpu.dimension_semantics<arbitrary>, #tpu.dimension_semantics<arbitrary>], iteration_bounds = array<i64: 2, 8>, scalar_prefetch = 0 : i64, scratch_operands = 0 : i64, tpu.core_type = #tpu.core_type<tc>, window_params = [{pipeline_mode = #tpu.pipeline_mode<synchronous>, transform_indices = @transform_0, window_bounds = array<i64: 8, 32, 2816>}, {pipeline_mode = #tpu.pipeline_mode<synchronous>, transform_indices = @transform_1, window_bounds = array<i64: 8, 32, 1>}, {transform_indices = @transform_2, window_bounds = array<i64: 1, 512, 2816>}, {transform_indices = @transform_3, window_bounds = array<i64: 32, 512>}]} {
    %eq3A = arith.constant 0 : i32
    %eq3A_0 = arith.cmpi eq, %arg1, %eq3A : i32
    %convert_element_type3A = arith.extui %eq3A_0 : i1 to i32
    %cond3A = arith.constant 0 : i32
    %cond3A_1 = arith.cmpi ne, %convert_element_type3A, %cond3A : i32
    scf.if %cond3A_1 {
      %broadcast_in_dim3A = arith.constant 0.000000e+00 : f32
      %broadcast_in_dim3A_22 = vector.broadcast %broadcast_in_dim3A : f32 to vector<32x512xf32>
      %swap3A_23 = arith.constant 0 : index
      %swap3A_24 = arith.constant 0 : index
      %swap3A_25 = vector.load %arg5[%swap3A_23, %swap3A_24] : memref<32x512xf32, #tpu.memory_space<vmem>>, vector<32x512xf32>
      tpu.vector_store %arg5[%swap3A_23, %swap3A_24], %broadcast_in_dim3A_22 {strides = array<i32>} : memref<32x512xf32, #tpu.memory_space<vmem>>, vector<32x512xf32>,
    } else {
    }
    %get3A = arith.index_cast %arg1 : i32 to index
    %get3A_2 = arith.constant 0 : index
    %get3A_3 = arith.constant 0 : index
    %get3A_4 = vector.load %arg2[%get3A, %get3A_2, %get3A_3] : memref<8x32x2816xf32, #tpu.memory_space<vmem>>, vector<1x32x2816xf32>
    %squeeze3A = vector.shape_cast %get3A_4 : vector<1x32x2816xf32> to vector<32x2816xf32>
    %get3A_5 = arith.index_cast %arg1 : i32 to index
    %get3A_6 = arith.constant 0 : index
    %get3A_7 = arith.constant 0 : index
    %get3A_8 = vector.load %arg3[%get3A_5, %get3A_6, %get3A_7] : memref<8x32x1xf32, #tpu.memory_space<vmem>>, vector<1x32x1xf32>
    %squeeze3A_9 = vector.shape_cast %get3A_8 : vector<1x32x1xf32> to vector<32x1xf32>
    %mul3A = vector.broadcast %squeeze3A_9 : vector<32x1xf32> to vector<32x2816xf32>
    %mul3A_10 = arith.mulf %squeeze3A, %mul3A : vector<32x2816xf32>
    %get3A_11 = arith.constant 0 : index
    %get3A_12 = arith.constant 0 : index
    %get3A_13 = vector.load %arg5[%get3A_11, %get3A_12] : memref<32x512xf32, #tpu.memory_space<vmem>>, vector<32x512xf32>
    %get3A_14 = arith.constant 0 : index
    %get3A_15 = arith.constant 0 : index
    %get3A_16 = arith.constant 0 : index
    %get3A_17 = vector.load %arg4[%get3A_14, %get3A_15, %get3A_16] : memref<1x512x2816xf32, #tpu.memory_space<vmem>>, vector<1x512x2816xf32>
    %get3A_18 = vector.shape_cast %get3A_17 : vector<1x512x2816xf32> to vector<512x2816xf32>
    %dot_general3A = arith.constant dense<0.000000e+00> : vector<32x512xf32>
    %dot_general3A_19 = tpu.matmul %mul3A_10, %get3A_18, %dot_general3A {dimension_numbers = #tpu.dot_dimension_numbers<[1], [1], [0], [0], [0, 0, 1, 0], [], []>, transpose_lhs_hint = false} : vector<32x2816xf32>, vector<512x2816xf32>, vector<32x512xf32> -> vector<32x512xf32>
    %add3A = arith.addf %get3A_13, %dot_general3A_19 : vector<32x512xf32>
    %swap3A = arith.constant 0 : index
    %swap3A_20 = arith.constant 0 : index
    %swap3A_21 = vector.load %arg5[%swap3A, %swap3A_20] : memref<32x512xf32, #tpu.memory_space<vmem>>, vector<32x512xf32>
    tpu.vector_store %arg5[%swap3A, %swap3A_20], %add3A {strides = array<i32>} : memref<32x512xf32, #tpu.memory_space<vmem>>, vector<32x512xf32>,
    return
  }
  func.func @transform_0(%arg0: i32, %arg1: i32) -> (i32, i32, i32) {
    %c0_i32 = arith.constant 0 : i32
    %c0_i32_0 = arith.constant 0 : i32
    %c0_i32_1 = arith.constant 0 : i32
    %c0_i32_2 = arith.constant 0 : i32
    return %c0_i32, %c0_i32_0, %c0_i32_1 : i32, i32, i32
  }
  func.func @transform_1(%arg0: i32, %arg1: i32) -> (i32, i32, i32) {
    %c0_i32 = arith.constant 0 : i32
    %c0_i32_0 = arith.constant 0 : i32
    %c0_i32_1 = arith.constant 0 : i32
    %c0_i32_2 = arith.constant 0 : i32
    return %c0_i32, %c0_i32_0, %c0_i32_1 : i32, i32, i32
  }
  func.func @transform_2(%arg0: i32, %arg1: i32) -> (i32, i32, i32) {
    %c0_i32 = arith.constant 0 : i32
    %c0_i32_0 = arith.constant 0 : i32
    return %arg1, %arg0, %c0_i32 : i32, i32, i32
  }
  func.func @transform_3(%arg0: i32, %arg1: i32) -> (i32, i32) {
    %c0_i32 = arith.constant 0 : i32
    %c0_i32_0 = arith.constant 0 : i32
    return %c0_i32, %arg0 : i32, i32
  }
}

</mosaic_0001>

<sc_bundles>
// kernel: kernel.5.cloned.1.call-start
scs
__scs_entry_jumppad:
0x0: {  	(pc) =	sbr.rel $0x88, $3  }
0x1: {  	(tag) =	ssettag $0x0;
	lr =	simm.s32 $0x1  }
0x2: {  	[smem:$0x3F9D] =	sst lr;
	_ =	strace $0xD0000000  }
0x3: {  	_ = 	snop  }
0x4: {  	_ = 	snop  }
0x5: {  	_ = 	snop  }
0x6: {  	_ = 	snop  }
0x7: {  	_ = 	snop  }
__scs_overlays_trampoline_lowered:
0x8: {  	[smem:$0x3FAC] =	sst s0  }
0x9: {  	[smem:$0x3FAD] =	sst s1  }
0xa: {  	[smem:$0x3FAE] =	sst s2  }
0xb: {  	[smem:$0x3FAF] =	sst s3  }
0xc: {  	[smem:$0x3FB0] =	sst s4  }
0xd: {  	[smem:$0x3FB1] =	sst s5  }
0xe: {  	[smem:$0x3FB2] =	sst s6  }
0xf: {  	[smem:$0x3FB3] =	sst s7  }
0x10: {  	[smem:$0x3FB4] =	sst s8  }
0x11: {  	[smem:$0x3FB5] =	sst s9;
	s0 =	simm.s32 @!p0 $0x0  }
0x12: {  	s1 =	sld [smem:$0x3F9B];
	s0 =	simm.s32 @p0 $0x1  }
0x13: {  	[smem:$0x3FB6] =	sst s0;
	s0 =	simm.s32 @!p1 $0x0  }
0x14: {  	s2 =	sld [smem:$0x3F9A];
	s0 =	simm.s32 @p1 $0x1  }
0x15: {  	[smem:$0x3FB7] =	sst s0;
	s0 =	simm.s32 @!p2 $0x0  }
0x16: {  	s3 =	sld [smem:$0x3FDB];
	s0 =	simm.s32 @p2 $0x1  }
0x17: {  	s4 =	simm.s32 $0x1BF5;
	[smem:$0x3FB9] =	sst s0  }
0x18: {  	s0 =	sld [smem:$0x3F9C];
	_ =	swait.ge [sflag:s4], $0x0  }
0x19: {  	s7 =	sld [smem:$0x3F9D]  }
0x1a: {  	s8 =	sadd.s32 $0xFFFFE003, lr  }
0x1b: {  	s9 =	sadd.s32 $0xFFFFFEF7, lr;
	s5 =	simm.s32 $0xFFFFFFFF;
	p2 =	slt.u32 s8, $0xFFFFF086  }
0x1c: {  	p1 =	slt.u32 s9, $0xF7A;
	s5 =	simm.s32 @!p2 $0x0  }
0x1d: {  	s5 =	simm.s32 @p1 $0x1;
	p0 =	seq.s32 s7, s2  }
0x1e: {  	s7 =	smul.u32 @!p0 $0xF7A, s2;
	p2 =	seq.s32 @!p0 s5, $0x0  }
0x1f: {  	s9 =	smul.u32 $0xF7A, s1;
	s8 =	simm.s32 @!p0 $0x1BF5;
	p2 =	por !p2, p0  }
0x20: {  	[sflag:s8] =	ssyncset.s32 @!p0 $0xFFFFF086;
	s6 =	sadd.s32 @!p0 s3, s7;
	s7 =	simm.s32 @!p0 $0x108  }
0x21: {  	s3 =	sadd.s32 s3, s9;
	s6 =	sadd.s32 @!p0 $0x88, s6;
	s7 =	simm.s32 @p2 $0x1082  }
0x22: {  	[simem:s7], [sflag:s8] =	dma.local @!p0 [hbm:s6], $0xF7A  }
0x23: {  	s9 =	sor.u32 $0xD0000000, s2;
	s6 =	simm.s32 $0x108;
	_ =	swait.ge @!p0 [sflag:s8], $0x0  }
0x24: {  	s3 =	sadd.s32 $0x88, s3;
	s6 =	simm.s32 @!p1 $0x1082;
	[sflag:s4] =	ssyncset.s32 $0xFFFFF086  }
0x25: {  	[simem:s6], [sflag:s4] =	dma.local [hbm:s3], $0xF7A  }
0x26: {  	[smem:$0x3F9D] =	sst s1;
	(tag) =	ssettag s2;
	_ =	strace s9  }
0x27: {  	s1 =	sld [smem:$0x3FAD]  }
0x28: {  	s2 =	sld [smem:$0x3FAE]  }
0x29: {  	s4 =	sld [smem:$0x3FB0]  }
0x2a: {  	p0 =	seq.s32 s5, $0x0;
	s5 =	sld [smem:$0x3FB1]  }
0x2b: {  	s6 =	sld [smem:$0x3FB2]  }
0x2c: {  	s7 =	sld [smem:$0x3FB3]  }
0x2d: {  	s3 =	simm.s32 $0x108;
	s8 =	sld [smem:$0x3FB4]  }
0x2e: {  	s3 =	simm.s32 @!p0 $0x1082;
	s9 =	sld [smem:$0x3FB5]  }
0x2f: {  	lr =	sadd.s32 s0, s3;
	s0 =	sld [smem:$0x3FAC]  }
0x30: {  	s3 =	sld [smem:$0x3FAF]  }
0x31: {  	[smem:$0x3FB8] =	sst s10  }
0x32: {  	s10 =	sld [smem:$0x3FB6];
	_ =	sdelay $0x3  }
0x33: {  	p0 =	seq.s32 s10, $0x1;
	s10 =	sld [smem:$0x3FB8];
	_ =	sdelay $0x3  }
0x34: {  	[smem:$0x3FB8] =	sst s10  }
0x35: {  	s10 =	sld [smem:$0x3FB7];
	_ =	sdelay $0x3  }
0x36: {  	p1 =	seq.s32 s10, $0x1;
	s10 =	sld [smem:$0x3FB8];
	_ =	sdelay $0x3  }
0x37: {  	[smem:$0x3FB8] =	sst s10  }
0x38: {  	s10 =	sld [smem:$0x3FB9]  }
0x39: {  	_ = 	snop;
	(pc) =	sbr.ind lr, $3  }
0x3a: {  	_ = 	snop  }
0x3b: {  	_ = 	snop  }
0x3c: {  	p2 =	seq.s32 s10, $0x1;
	s10 =	sld [smem:$0x3FB8]  }
0x3d: {  	_ =	shalt  }
0x3e: {  	_ =	shalt  }
0x3f: {  	_ =	shalt  }
0x40: {  	_ =	shalt  }
0x41: {  	_ =	shalt  }
0x42: {  	_ =	shalt  }
0x43: {  	_ =	shalt  }
0x44: {  	_ =	shalt  }
0x45: {  	_ =	shalt  }
0x46: {  	_ =	shalt  }
0x47: {  	_ =	shalt  }
0x48: {  	_ =	shalt  }
0x49: {  	_ =	shalt  }
0x4a: {  	_ =	shalt  }
0x4b: {  	_ =	shalt  }
0x4c: {  	_ =	shalt  }
0x4d: {  	_ =	shalt  }
0x4e: {  	_ =	shalt  }
0x4f: {  	_ =	shalt  }
0x50: {  	_ =	shalt  }
0x51: {  	_ =	shalt  }
0x52: {  	_ =	shalt  }
0x53: {  	_ =	shalt  }
0x54: {  	_ =	shalt  }
0x55: {  	_ =	shalt  }
0x56: {  	_ =	shalt  }
0x57: {  	_ =	shalt  }
0x58: {  	_ =	shalt  }
0x59: {  	_ =	shalt  }
0x5a: {  	_ =	shalt  }
0x5b: {  	_ =	shalt  }
0x5c: {  	_ =	shalt  }
0x5d: {  	_ =	shalt  }
0x5e: {  	_ =	shalt  }
0x5f: {  	_ =	shalt  }
0x60: {  	_ =	shalt  }
0x61: {  	_ =	shalt  }
0x62: {  	_ =	shalt  }
0x63: {  	_ =	shalt  }
0x64: {  	_ =	shalt  }
0x65: {  	_ =	shalt  }
0x66: {  	_ =	shalt  }
0x67: {  	_ =	shalt  }
0x68: {  	_ =	shalt  }
0x69: {  	_ =	shalt  }
0x6a: {  	_ =	shalt  }
0x6b: {  	_ =	shalt  }
0x6c: {  	_ =	shalt  }
0x6d: {  	_ =	shalt  }
0x6e: {  	_ =	shalt  }
0x6f: {  	_ =	shalt  }
0x70: {  	_ =	shalt  }
0x71: {  	_ =	shalt  }
0x72: {  	_ =	shalt  }
0x73: {  	_ =	shalt  }
0x74: {  	_ =	shalt  }
0x75: {  	_ =	shalt  }
0x76: {  	_ =	shalt  }
0x77: {  	_ =	shalt  }
0x78: {  	_ =	shalt  }
0x79: {  	_ =	shalt  }
0x7a: {  	_ =	shalt  }
0x7b: {  	_ =	shalt  }
0x7c: {  	_ =	shalt  }
0x7d: {  	_ =	shalt  }
0x7e: {  	_ =	shalt  }
0x7f: {  	_ =	shalt  }
0x80: {  	_ =	shalt  }
0x81: {  	_ =	shalt  }
0x82: {  	_ =	shalt  }
0x83: {  	_ =	shalt  }
0x84: {  	_ =	shalt  }
0x85: {  	_ =	shalt  }
0x86: {  	_ =	shalt  }
0x87: {  	_ =	shalt  }
.Lfunc_end0:
.L_simem_size_0:
called_computation_lowered:
.L_overlay_start_0:
0x88: {  	s2 =	sld [smem:$0x3FD9]  }
0x89: {  	s3 =	sld [smem:$0x3FFE];
	_ =	sdelay $0x1  }
0x8a: {  	s1 =	srdreg.scid  }
0x8b: {  	s0 =	sand.u32 $0x1, s1  }
0x8c: {  	s18 =	sshll.u32 s0, $0xA;
	s2 =	sadd.s32 s3, s2  }
0x8d: {  	s2 =	sadd.s32 s2, s18  }
0x8e: {  	[smem:$0x3FC4] =	sst s2  }
0x8f: {  	_ = 	snop  }
0x90: {  	s2 =	sld [smem:$0x3FC8]  }
0x91: {  	s19 =	sld [smem:$0x3FD0];
	(tm) =	ssettm $0x1  }
0x92: {  	s4 =	sld [smem:$0x3FFB];
	_ =	sdelay $0x3  }
0x93: {  	_ =	strace s4  }
0x94: {  	s4 =	sld [smem:$0x3FFC];
	_ =	sdelay $0x3  }
0x95: {  	_ =	strace s4  }
0x96: {  	s4 =	sld [smem:$0x3FFD];
	_ =	sdelay $0x3  }
0x97: {  	_ =	strace s4  }
0x98: {  	_ =	strace $0x8FFFFFFF  }
0x99: {  	s20 =	sld [smem:$0x3FDB];
	_ =	sdelay $0x1  }
0x9a: {  	s5 =	simm.s32 $_scs_section_size  }
0x9b: {  	s6 =	simm.s32 $_size__tile_overlayer_lowered;
	s7 =	simm.s32 $_tile_overlayer_lowered  }
0x9c: {  	s23 =	simm.s32 $0x1BFF;
	s22 =	sshll.u32 s7, $0x1;
	s4 =	sadd.s32 s5, s20  }
0x9d: {  	s8 =	simm.s32 $0x0;
	s21 =	sshll.u32 s6, $0x1;
	s6 =	sadd.s32 s22, s4  }
0x9e: {  	[timem:s8], [sflag:s23] =	dma.local [hbm:s6], s21  }
0x9f: {  	_ =	swait.ge [sflag:s23], s21  }
0xa0: {  	s5 =	ssub.s32 $0x0, s21;
	[sflag:s23] =	ssyncset.done $0x0  }
0xa1: {  	[sflag:s23] =	ssyncadd.s32 s5;
	_ =	sdelay $0x1  }
0xa2: {  	s24 =	simm.s32 $0x1B8B  }
0xa3: {  	_ =	swait.ge [sflag:s24], $0x1  }
0xa4: {  	[sflag:s24] =	ssyncset.done $0x0  }
0xa5: {  	s25 =	simm.s32 $0x1B8E;
	[sflag:s24] =	ssyncadd.s32 $0xFFFFFFFF  }
0xa6: {  	s26 =	simm.s32 $execute0_lowered;
	[smem:$0x3FD2] =	sst s25  }
0xa7: {  	s5 =	sshll.u32 s26, $0x1;
	_ =	strace $0x80000046;
	[dreg:$0x1] =	wrdreg $0xFFFFFFFF  }
0xa8: {  	s28 =	simm.s32 $_size_execute0_lowered;
	s4 =	sadd.s32 s4, s5;
	[dreg:$0x0] =	wrdreg $0x0  }
0xa9: {  	s5 =	sshll.u32 s28, $0x1;
	[dreg:$0x2] =	wrdreg s4  }
0xaa: {  	[dreg:$0x3] =	wrdreg s5  }
0xab: {  	[dreg:$0x4] =	wrdreg $0xC0  }
0xac: {  	_ =	task [dreg:s8], $0x5FFFF  }
0xad: {  	[dreg:$0x1] =	wrdreg $0xFFFFFFFF  }
0xae: {  	[dreg:$0x0] =	wrdreg $0x60  }
0xaf: {  	[dreg:$0x2] =	wrdreg s2  }
0xb0: {  	[dreg:$0x3] =	wrdreg s19  }
0xb1: {  	[dreg:$0x4] =	wrdreg $0x9  }
0xb2: {  	_ =	task.clear_ibuf [dreg:s8], $0x5FFFF;
	_ =	strace $0x90000046  }
0xb3: {  	s29 =	simm.s32 $0x9;
	_ =	strace $0x80000048  }
0xb4: {  	_ =	swait.ge [sflag:s29], $0x1  }
0xb5: {  	[sflag:s29] =	ssyncadd.s32 $0xFFFFFFFF  }
0xb6: {  	_ =	strace $0x90000048  }
0xb7: {  	_ =	sfence  }
0xb8: {  	s30 =	sld [smem:$0x0];
	_ =	sdelay $0x2  }
0xb9: {  	s31 =	sshll.u32 s1, $0xD;
	s1 =	sshrl.u32 s1, $0x2  }
0xba: {  	s3 =	sand.u32 $0x4000, s31;
	s1 =	sadd.s32 s1, s30  }
0xbb: {  	s0 =	sor.u32 s3, s0;
	s1 =	sshll.u32 s1, $0x11  }
0xbc: {  	s0 =	sor.u32 s1, s0  }
0xbd: {  	s0 =	sadd.s32 $0x8F2B, s0  }
0xbe: {  	[sflag:s0] =	ssyncadd.remote.s32 $0x1  }
0xbf: {  	_ =	sfence.sel $0xFFFF  }
0xc0: {  	[dreg:$0x0] =	wrdreg $0xFFFFFFFF;
	(pc) =	sbr.abs _section_cstart, $3  }
0xc1: {  	[dreg:$0x1] =	wrdreg $0xFFFFFFFF  }
0xc2: {  	_ =	task.clear_ibuf [dreg:s8], $0x2FFFF;
	_ =	strace $0x9FFFFFFF  }
0xc3: {  	(tm) =	ssettm $0x7FFFFFFF  }
tec
execute0_lowered:
.L_overlay_start_1:
0x0: {  	(tag) =	ssettag $0x1  }
0x1: {  	s0 =	srdreg.scid  }
0x2: {  	s6 =	sand.u32 $0x1, s0;
	s0 =	stileid.u32  }
0x3: {  	s3 =	sor.u32 s0, s6  }
0x4: {  	p0 =	sne.s32 s3, $0x0  }
.Ltmp0:
0x5: {  	_ = 	snop;
	(pc) =	sbr.rel @p0 .LBB2_4-.Ltmp0, $4  }
0x6: {  	_ = 	snop  }
0x7: {  	s5 =	rddreg [dreg:$0x0]  }
0x8: {  	s2 =	rddreg [dreg:$0x1]  }
0x9: {  	s1 =	rddreg [dreg:$0x2];
	_ =	strace $0x80000047  }
0xa: {  	s4 =	simm.s32 $0x0;
	s3 =	simm.s32 $0x1  }
0xb: {  	[tilespmem:s4], [sflag:$0x1] =	stream.linear.gather [hbm4b:s5+s4], $0x400, $0x38;
	[tilespmem:$0x800] =	vst v63  }
0xc: {  	_ =	swait.ge [sflag:s3], $0x400  }
0xd: {  	[sflag:s3] =	ssyncset.done $0x0  }
0xe: {  	[sflag:s3] =	ssyncadd.s32 $0xFFFFFC00  }
0xf: {  	v0 =	vld [tilespmem:$0x290]  }
0x10: {  	v1 =	vld [tilespmem:$0x210]  }
0x11: {  	v2 =	vld [tilespmem:$0x190]  }
0x12: {  	v3 =	vld [tilespmem:$0x110]  }
0x13: {  	v4 =	vld [tilespmem:$0x180]  }
0x14: {  	v5 =	vld [tilespmem:$0x100]  }
0x15: {  	v6 =	vld [tilespmem:$0x0]  }
0x16: {  	v7 =	vld [tilespmem:$0x80]  }
0x17: {  	v8 =	vld [tilespmem:$0x90]  }
0x18: {  	v9 =	vld [tilespmem:$0x10]  }
0x19: {  	v10 =	vld [tilespmem:$0x200]  }
0x1a: {  	v11 =	vld [tilespmem:$0x280]  }
0x1b: {  	v12 =	vld [tilespmem:$0x300]  }
0x1c: {  	v14 =	vld [tilespmem:$0x380];
	v13 =	vmax.f32 v6, v7  }
0x1d: {  	v15 =	vld [tilespmem:$0x310];
	v16 =	vmax.f32 v9, v8;
	v13 =	vmax.f32 v13, v5  }
0x1e: {  	v17 =	vld [tilespmem:$0x390];
	v16 =	vmax.f32 v16, v3;
	v13 =	vmax.f32 v13, v4  }
0x1f: {  	v16 =	vmax.f32 v16, v2;
	v13 =	vmax.f32 v13, v10  }
0x20: {  	v16 =	vmax.f32 v16, v1;
	v13 =	vmax.f32 v13, v11  }
0x21: {  	v16 =	vmax.f32 v16, v0;
	v13 =	vmax.f32 v13, v12  }
0x22: {  	v16 =	vmax.f32 v16, v15;
	v13 =	vmax.f32 v13, v14  }
0x23: {  	v16 =	vmax.f32 v16, v17;
	v7 =	vsub.f32 v7, v13  }
0x24: {  	v6 =	vsub.f32 v6, v13;
	v9 =	vsub.f32 v9, v16  }
0x25: {  	v5 =	vsub.f32 v5, v13;
	v7 =	vmul.f32 $1.442695020e+00, v7  }
0x26: {  	v4 =	vsub.f32 v4, v13;
	v6 =	vmul.f32 $1.442695020e+00, v6;
	v9 =	vmul.f32 $1.442695020e+00, v9  }
0x27: {  	v8 =	vsub.f32 v8, v16;
	v5 =	vmul.f32 $1.442695020e+00, v5;
	(erf) = vpow2.f32 v7  }
0x28: {  	v3 =	vsub.f32 v3, v16;
	v4 =	vmul.f32 $1.442695020e+00, v4;
	(erf) = vpow2.f32 v6  }
0x29: {  	v2 =	vsub.f32 v2, v16;
	v6 =	vmul.f32 $1.442695020e+00, v8;
	(erf) = vpow2.f32 v9  }
0x2a: {  	v3 =	vmul.f32 $1.442695020e+00, v3;
	v7 =	vsub.f32 v10, v13;
	(erf) = vpow2.f32 v5  }
0x2b: {  	v1 =	vsub.f32 v1, v16;
	v2 =	vmul.f32 $1.442695020e+00, v2;
	(erf) = vpow2.f32 v6  }
0x2c: {  	v5 =	vsub.f32 v11, v13;
	v6 =	vmul.f32 $1.442695020e+00, v7;
	(erf) = vpow2.f32 v4  }
0x2d: {  	v1 =	vmul.f32 $1.442695020e+00, v1;
	(erf) = vpow2.f32 v3;
	v3 =	vsub.f32 v12, v13  }
0x2e: {  	v4 =	vmul.f32 $1.442695020e+00, v5;
	(erf) = vpow2.f32 v6  }
0x2f: {  	(erf) = vpow2.f32 v2;
	v2 =	vmul.f32 $1.442695020e+00, v3;
	v3 =	vsub.f32 v14, v13  }
0x30: {  	v0 =	vsub.f32 v0, v16;
	v5 =	vpop (erf);
	(erf) = vpow2.f32 v4  }
0x31: {  	v4 =	vsub.f32 v15, v16;
	v6 =	vpop (erf);
	(erf) = vpow2.f32 v1;
	v1 =	vmul.f32 $1.442695020e+00, v3  }
0x32: {  	v0 =	vmul.f32 $1.442695020e+00, v0;
	v7 =	vsub.f32 v17, v16  }
0x33: {  	v3 =	vadd.f32 v5, v6;
	(erf) = vpow2.f32 v2;
	v4 =	vmul.f32 $1.442695020e+00, v4;
	v2 =	vpop (erf)  }
0x34: {  	(erf) = vpow2.f32 v0;
	v8 =	vpop (erf)  }
0x35: {  	(erf) = vpow2.f32 v1;
	v0 =	vadd.f32 v3, v8;
	v1 =	vpop (erf);
	v3 =	vmul.f32 $1.442695020e+00, v7  }
0x36: {  	v9 =	vpop (erf)  }
0x37: {  	(erf) = vpow2.f32 v4;
	v0 =	vadd.f32 v0, v9;
	v4 =	vpop (erf)  }
0x38: {  	v7 =	vadd.f32 v1, v2;
	v10 =	vpop (erf)  }
0x39: {  	(erf) = vpow2.f32 v3;
	v0 =	vadd.f32 v0, v10;
	v3 =	vpop (erf)  }
0x3a: {  	v7 =	vadd.f32 v7, v4;
	v11 =	vpop (erf)  }
0x3b: {  	v0 =	vadd.f32 v0, v11;
	v53 =	vpop (erf)  }
0x3c: {  	v7 =	vadd.f32 v7, v3;
	v54 =	vpop (erf)  }
0x3d: {  	v0 =	vadd.f32 v0, v54;
	v55 =	vpop (erf)  }
0x3e: {  	v7 =	vadd.f32 v7, v53;
	v56 =	vpop (erf)  }
0x3f: {  	v0 =	vadd.f32 v0, v56  }
0x40: {  	v7 =	vadd.f32 v7, v55  }
0x41: {  	v57 =	vpop (erf);
	(erf) = vrcp.f32 v0  }
0x42: {  	v7 =	vadd.f32 v7, v57  }
0x43: {  	v58 =	vpop (erf)  }
0x44: {  	v0 =	vadd.f32 v7, v58;
	_ =	sdelay $0x1  }
0x45: {  	(erf) = vrcp.f32 v0;
	_ =	sdelay $0x3  }
0x46: {  	v7 =	vpop (erf)  }
0x47: {  	v6 =	vmul.f32 v7, v6  }
0x48: {  	v5 =	vmul.f32 v7, v5;
	v13 =	vmul.f32 v7, v54  }
0x49: {  	v0 =	vimm.s32 $0x0;
	v8 =	vmul.f32 v7, v8;
	v11 =	vmul.f32 v7, v11  }
0x4a: {  	v9 =	vmul.f32 v7, v9;
	v10 =	vmul.f32 v7, v10;
	vm0 =	vgt.f32 v5, v6  }
0x4b: {  	v7 =	vmul.f32 v7, v56;
	v18 =	vpop (erf);
	vm6 =	vgt.f32 v6, $-1.000000000e+00;
	v19 =	vsel vm0, v5, v6  }
0x4c: {  	v20 =	vmul.f32 v18, v2;
	v2 =	vmul.f32 v18, v58;
	vm1 =	vgt.f32 v8, v19  }
0x4d: {  	v16 =	vmul.f32 v18, v57;
	v60 =	vmul.f32 v18, v4;
	v59 =	vsel vm1, v8, v19  }
0x4e: {  	v14 =	vmul.f32 v18, v55;
	v4 =	vmul.f32 v18, v1;
	vm2 =	vgt.f32 v9, v59  }
0x4f: {  	v1 =	vsel vm0, $0x1, v0;
	v21 =	vmul.f32 v18, v3;
	v17 =	vsel vm2, v9, v59  }
0x50: {  	v1 =	vsel vm1, $0x2, v1;
	vm1 =	vgt.f32 v4, v20;
	vm0 =	vgt.f32 v10, v17  }
0x51: {  	v12 =	vmul.f32 v18, v53;
	v61 =	vsel vm1, v4, v20;
	v3 =	vsel vm0, v10, v17  }
0x52: {  	v63 =	vsel vm1, $0x1, v0;
	vm4 =	vgt.f32 v60, v61;
	vm3 =	vgt.f32 v11, v3  }
0x53: {  	v1 =	vsel vm2, $0x3, v1;
	v17 =	vsel vm4, v60, v61;
	v3 =	vsel vm3, v11, v3  }
0x54: {  	v1 =	vsel vm0, $0x4, v1;
	vm5 =	vgt.f32 v21, v17;
	vm2 =	vgt.f32 v13, v3  }
0x55: {  	v1 =	vsel vm3, $0x5, v1;
	v62 =	vsel vm2, v13, v3;
	v3 =	vsel vm5, v21, v17  }
0x56: {  	v1 =	vsel vm2, $0x6, v1;
	vm0 =	vgt.f32 v7, v62;
	vm3 =	vgt.f32 v12, v3  }
0x57: {  	v17 =	vsel vm4, $0x2, v63;
	vm15 =	vmneg vm0;
	v18 =	vsel vm3, v12, v3  }
0x58: {  	v17 =	vsel vm5, $0x3, v17;
	v3 =	vnsel vm15, $0x7, v1;
	vm1 =	vgt.f32 v14, v18  }
0x59: {  	v17 =	vsel vm3, $0x4, v17;
	vm4 =	vne.s32 v3, $0x0;
	v1 =	vsel vm1, v14, v18  }
0x5a: {  	vm3 =	vne.s32 v3, $0x1;
	vm4 =	vmand vm6, vm4;
	vm6 =	vgt.f32 v16, v1  }
0x5b: {  	vm7 =	vne.s32 v3, $0x2;
	v6 =	vnsel vm4, $0xBF800000, v6;
	v18 =	vsel vm6, v16, v1  }
0x5c: {  	v1 =	vsel vm1, $0x5, v17;
	vm1 =	vgt.f32 v2, v18;
	vm4 =	vgt.f32 v5, v6  }
0x5d: {  	v1 =	vsel vm6, $0x6, v1;
	vm0 =	vmneg vm1;
	vm3 =	vmand vm3, vm4  }
0x5e: {  	vm10 =	vne.s32 v3, $0x4;
	v1 =	vnsel vm0, $0x7, v1;
	v5 =	vsel vm3, v5, v6  }
0x5f: {  	vm4 =	vgt.f32 v20, $-1.000000000e+00;
	vm5 =	vne.s32 v1, $0x0;
	vm8 =	vgt.f32 v8, v5  }
0x60: {  	vm4 =	vmand vm4, vm5;
	vm8 =	vmand vm7, vm8;
	vm7 =	vne.s32 v3, $0x3  }
0x61: {  	v6 =	vnsel vm4, $0xBF800000, v20;
	v5 =	vsel vm8, v8, v5;
	vm4 =	vne.s32 v1, $0x1  }
0x62: {  	v8 =	vimm.s32 $0x0;
	vm5 =	vgt.f32 v4, v6;
	vm9 =	vgt.f32 v9, v5  }
0x63: {  	vm1 =	vmand vm4, vm5;
	vm9 =	vmand vm7, vm9;
	vm5 =	vne.s32 v1, $0x2  }
0x64: {  	v8 =	vsel vm1, $0xFFFFFFFF, v8;
	v6 =	vsel vm1, v4, v6;
	v5 =	vsel vm9, v9, v5  }
0x65: {  	v4 =	vsel vm15, v62, v7;
	vm7 =	vgt.f32 v60, v6;
	vm11 =	vgt.f32 v10, v5  }
0x66: {  	[tilespmem:$0x1FFE0] =	vst v8;
	v8 =	vimm.s32 $0x0;
	vm1 =	vmand vm5, vm7;
	vm12 =	vmand vm10, vm11  }
0x67: {  	vm7 =	vne.s32 v1, $0x3;
	vm11 =	vne.s32 v3, $0x5;
	v6 =	vsel vm1, v60, v6  }
0x68: {  	vm5 =	vmand vm2, vm15;
	v5 =	vsel vm12, v10, v5;
	vm10 =	vgt.f32 v21, v6  }
0x69: {  	v8 =	vsel vm1, $0xFFFFFFFF, v8;
	vm13 =	vgt.f32 v11, v5;
	vm7 =	vmand vm7, vm10  }
0x6a: {  	[tilespmem:$0x1FFF0] =	vst v8;
	v8 =	vsel vm3, $0x1, v0;
	vm13 =	vmand vm11, vm13;
	v6 =	vsel vm7, v21, v6  }
0x6b: {  	vm3 =	vne.s32 v1, $0x4;
	v5 =	vsel vm13, v11, v5;
	vm10 =	vgt.f32 v12, v6  }
0x6c: {  	v8 =	vsel vm8, $0x2, v8;
	vm8 =	vgt.f32 v13, v5;
	vm4 =	vmand vm3, vm10  }
0x6d: {  	v8 =	vsel vm9, $0x3, v8;
	vm2 =	vmneg vm8;
	v6 =	vsel vm4, v12, v6  }
0x6e: {  	s6 =	ssub.s32 $0x2, s6;
	vm14 =	vmor vm5, vm2;
	vm2 =	vne.s32 v1, $0x5;
	vm8 =	vgt.f32 v14, v6  }
0x6f: {  	s7 =	sshrl.u32 s6, $0x1;
	v8 =	vsel vm12, $0x4, v8;
	vm10 =	vmmov vm0;
	vm11 =	vmand vm2, vm8  }
0x70: {  	s7 =	ssub.s32 s6, s7;
	v8 =	vsel vm13, $0x5, v8;
	v5 =	vsel vm14, v5, v13;
	v6 =	vsel vm11, v14, v6  }
0x71: {  	p0 =	sne.s32 s7, $0x1;
	vm3 =	vmand vm6, vm0;
	vm2 =	vgt.f32 v7, v5;
	vm9 =	vgt.f32 v16, v6  }
.Ltmp1:
0x72: {  	vm13 =	veq.s32 v3, $0x2;
	vm8 =	vmand vm15, vm2;
	vm6 =	vmneg vm9;
	(pc) =	sbr.rel @!p0 .LBB2_3-.Ltmp1, $4  }
0x73: {  	v9 =	vsel vm8, v7, v5;
	v7 =	vnsel vm14, $0x6, v8;
	vm9 =	vmor vm3, vm6  }
0x74: {  	v5 =	vsel vm0, v18, v2;
	v10 =	vadd.f32 v9, v4;
	v6 =	vsel vm9, v6, v16  }
0x75: {  	vm12 =	vmor vm8, vm14;
	vm14 =	veq.s32 v3, $0x1;
	vm6 =	vgt.f32 v2, v6  }
0x76: {  	s6 =	simm.s32 $0x400;
	s7 =	sadd.s32 $0xFFFFFFFF, s7;
	v8 =	vsel vm8, $0x7, v7;
	(erf) = vrcp.f32 v10;
	vm6 =	vmand vm0, vm6  }
.LBB2_2:
0x77: {  	v7 =	vimm.s32 $0x0  }
0x78: {  	v7 =	vsel vm11, $0xFFFFFFFF, v7  }
0x79: {  	[tilespmem:$0x1FF80] =	vst v7;
	v7 =	vimm.s32 $0x0  }
0x7a: {  	v7 =	vsel vm4, $0xFFFFFFFF, v7  }
0x7b: {  	[tilespmem:$0x1FF70] =	vst v7;
	v7 =	vimm.s32 $0x0  }
0x7c: {  	v7 =	vsel vm5, $0xFFFFFFFF, v7  }
0x7d: {  	[tilespmem:$0x1FFB0] =	vst v7;
	v7 =	vimm.s32 $0x0  }
0x7e: {  	v7 =	vsel vm12, $0xFFFFFFFF, v7  }
0x7f: {  	[tilespmem:$0x1FF90] =	vst v7;
	v7 =	vimm.s32 $0x0  }
0x80: {  	v7 =	vsel vm15, $0xFFFFFFFF, v7  }
0x81: {  	[tilespmem:$0x1FFA0] =	vst v7;
	v7 =	vimm.s32 $0x0  }
0x82: {  	v7 =	vsel vm10, $0xFFFFFFFF, v7  }
0x83: {  	[tilespmem:$0x1FFD0] =	vst v7;
	v7 =	vimm.s32 $0x0  }
0x84: {  	v2 =	vsel vm6, v2, v6;
	v6 =	vpop (erf);
	v7 =	vsel vm3, $0xFFFFFFFF, v7  }
0x85: {  	vm2 =	veq.s32 v3, $0x4;
	[tilespmem:$0x1FFC0] =	vst v7;
	v7 =	vmul.f32 v6, v9  }
0x86: {  	vm11 =	vmmov vm7;
	vm7 =	veq.s32 v8, $0x3;
	v4 =	vmul.f32 v6, v4  }
0x87: {  	vm1 =	veq.s32 v3, $0x3;
	vm4 =	veq.s32 v8, $0x4;
	v9 =	vnsel vm7, $0x0, v7  }
0x88: {  	vm0 =	veq.s32 v8, $0x1;
	v10 =	vnsel vm4, $0x0, v7;
	v9 =	vsel vm1, v4, v9  }
0x89: {  	vm15 =	veq.s32 v3, $0x0;
	v6 =	vnsel vm0, $0x0, v7;
	v10 =	vsel vm2, v4, v10;
	[tilespmem:$0x580] =	vst v9;
	v9 =	vld [tilespmem:$0x1FFE0]  }
0x8a: {  	vm3 =	veq.s32 v3, $0x5;
	v3 =	vadd.f32 v2, v5;
	v6 =	vsel vm14, v4, v6;
	[tilespmem:$0x600] =	vst v10;
	v10 =	vld [tilespmem:$0x1FFF0]  }
0x8b: {  	[tilespmem:$0x480] =	vst v6;
	v6 =	vld [tilespmem:$0x1FF70]  }
0x8c: {  	(erf) = vrcp.f32 v3;
	_ =	sdelay $0x1  }
0x8d: {  	vm0 =	vnez.u8 v9  }
0x8e: {  	v9 =	vsel vm0, $0x1, v0;
	vm0 =	vnez.u8 v10  }
0x8f: {  	v9 =	vsel vm0, $0x2, v9;
	vm0 =	vnez.u8 v6;
	v6 =	vld [tilespmem:$0x1FF80]  }
0x90: {  	vm10 =	veq.s32 v8, $0x0  }
0x91: {  	v3 =	vnsel vm10, $0x0, v7  }
0x92: {  	v3 =	vsel vm15, v4, v3  }
0x93: {  	[tilespmem:$0x400] =	vst v3;
	v3 =	vsel vm11, $0x3, v9  }
0x94: {  	v3 =	vsel vm0, $0x4, v3;
	vm0 =	vnez.u8 v6;
	v6 =	vpop (erf)  }
0x95: {  	v2 =	vmul.f32 v6, v2;
	v5 =	vmul.f32 v6, v5;
	v6 =	vld [tilespmem:$0x1FF90];
	_ =	sdelay $0x2  }
0x96: {  	vm5 =	veq.s32 v8, $0x2;
	vm12 =	veq.s32 v8, $0x5  }
0x97: {  	v8 =	vnsel vm5, $0x0, v7;
	v11 =	vnsel vm12, $0x0, v7  }
0x98: {  	v11 =	vsel vm3, v4, v11;
	v8 =	vsel vm13, v4, v8;
	vm3 =	vnez.u8 v6  }
0x99: {  	[tilespmem:$0x500] =	vst v8;
	v8 =	vnsel vm8, $0x0, v7;
	v6 =	vsel vm3, $0x0, v7;
	v7 =	vld [tilespmem:$0x1FFA0];
	_ =	sdelay $0x4  }
0x9a: {  	vm3 =	vnez.u8 v7  }
0x9b: {  	v7 =	vsel vm3, v8, v4;
	v8 =	vld [tilespmem:$0x1FFB0]  }
0x9c: {  	v3 =	vsel vm0, $0x5, v3  }
0x9d: {  	v3 =	vnsel vm9, $0x6, v3  }
0x9e: {  	v3 =	vsel vm6, $0x7, v3  }
0x9f: {  	vm7 =	veq.s32 v1, $0x4;
	vm3 =	veq.s32 v3, $0x4  }
0xa0: {  	vm10 =	veq.s32 v3, $0x3;
	vm8 =	vnez.u8 v8;
	v8 =	vnsel vm3, $0x0, v2  }
0xa1: {  	vm1 =	veq.s32 v1, $0x3;
	[tilespmem:$0x780] =	vst v7;
	v7 =	vnsel vm10, $0x0, v2;
	v8 =	vsel vm7, v5, v8  }
0xa2: {  	v7 =	vsel vm1, v5, v7;
	[tilespmem:$0x610] =	vst v8;
	v8 =	vld [tilespmem:$0x1FFC0]  }
0xa3: {  	vm4 =	veq.s32 v1, $0x1;
	vm2 =	vmor vm6, vm9;
	[tilespmem:$0x590] =	vst v7;
	v7 =	vld [tilespmem:$0x1FFD0]  }
0xa4: {  	v4 =	vsel vm8, v4, v6;
	v6 =	vsel vm2, $0x0, v2;
	vm2 =	veq.s32 v3, $0x0  }
0xa5: {  	vm5 =	veq.s32 v1, $0x0;
	[tilespmem:$0x680] =	vst v11;
	vm9 =	veq.s32 v3, $0x2;
	v9 =	vnsel vm2, $0x0, v2  }
0xa6: {  	vm0 =	veq.s32 v1, $0x2;
	[tilespmem:$0x700] =	vst v4;
	v4 =	vnsel vm9, $0x0, v2;
	v9 =	vsel vm5, v5, v9  }
0xa7: {  	vm8 =	veq.s32 v3, $0x1;
	v4 =	vsel vm0, v5, v4;
	[tilespmem:$0x410] =	vst v9;
	vm0 =	vnez.u8 v8  }
0xa8: {  	[tilespmem:$0x510] =	vst v4;
	v8 =	vnsel vm6, $0x0, v2;
	v6 =	vsel vm0, v5, v6;
	vm0 =	vnez.u8 v7  }
0xa9: {  	v10 =	vnsel vm8, $0x0, v2;
	v7 =	vsel vm0, v8, v5;
	vm0 =	veq.s32 v3, $0x5;
	[tilespmem:$0x710] =	vst v6  }
0xaa: {  	vm1 =	veq.s32 v1, $0x5;
	v8 =	vsel vm4, v5, v10;
	v1 =	vnsel vm0, $0x0, v2;
	[tilespmem:$0x790] =	vst v7  }
0xab: {  	[tilespmem:$0x490] =	vst v8;
	v1 =	vsel vm1, v5, v1  }
0xac: {  	[tilespmem:$0x690] =	vst v1  }
0xad: {  	[hbm4b:s2+s4] =	stream.linear.scatter [tilespmem:s6], [sflag:$0x1], $0x400, $0x38;
	[tilespmem:$0x800] =	vst v63  }
0xae: {  	_ =	swait.ge [sflag:s3], $0x400  }
0xaf: {  	[sflag:s3] =	ssyncset.done $0x0  }
0xb0: {  	[sflag:s3] =	ssyncadd.s32 $0xFFFFFC00  }
0xb1: {  	[tilespmem:s4], [sflag:$0x1] =	stream.linear.gather [hbm4b:s5+s4], $0x400, $0x38;
	[tilespmem:$0x800] =	vst v63  }
0xb2: {  	_ =	swait.ge [sflag:s3], $0x400  }
0xb3: {  	[sflag:s3] =	ssyncset.done $0x0  }
0xb4: {  	[sflag:s3] =	ssyncadd.s32 $0xFFFFFC00  }
0xb5: {  	v1 =	vld [tilespmem:$0x310]  }
0xb6: {  	v2 =	vld [tilespmem:$0x290]  }
0xb7: {  	v3 =	vld [tilespmem:$0x210]  }
0xb8: {  	v4 =	vld [tilespmem:$0x190]  }
0xb9: {  	v5 =	vld [tilespmem:$0x110]  }
0xba: {  	v7 =	vld [tilespmem:$0x100]  }
0xbb: {  	v8 =	vld [tilespmem:$0x90]  }
0xbc: {  	v10 =	vld [tilespmem:$0x0]  }
0xbd: {  	v11 =	vld [tilespmem:$0x80]  }
0xbe: {  	v9 =	vld [tilespmem:$0x10]  }
0xbf: {  	v6 =	vld [tilespmem:$0x180]  }
0xc0: {  	v13 =	vld [tilespmem:$0x200]  }
0xc1: {  	v14 =	vld [tilespmem:$0x280]  }
0xc2: {  	v17 =	vld [tilespmem:$0x300];
	v18 =	vmax.f32 v10, v11  }
0xc3: {  	v12 =	vld [tilespmem:$0x380];
	v15 =	vmax.f32 v9, v8;
	v18 =	vmax.f32 v18, v7  }
0xc4: {  	v16 =	vld [tilespmem:$0x390];
	v15 =	vmax.f32 v15, v5;
	v18 =	vmax.f32 v18, v6  }
0xc5: {  	v15 =	vmax.f32 v15, v4;
	v18 =	vmax.f32 v18, v13  }
0xc6: {  	v15 =	vmax.f32 v15, v3;
	v18 =	vmax.f32 v18, v14  }
0xc7: {  	v15 =	vmax.f32 v15, v2;
	v18 =	vmax.f32 v18, v17  }
0xc8: {  	v15 =	vmax.f32 v15, v1;
	v18 =	vmax.f32 v18, v12  }
0xc9: {  	v15 =	vmax.f32 v15, v16;
	v11 =	vsub.f32 v11, v18  }
0xca: {  	v9 =	vsub.f32 v9, v15;
	v10 =	vsub.f32 v10, v18  }
0xcb: {  	v8 =	vsub.f32 v8, v15;
	v11 =	vmul.f32 $1.442695020e+00, v11  }
0xcc: {  	v7 =	vsub.f32 v7, v18;
	v9 =	vmul.f32 $1.442695020e+00, v9;
	v10 =	vmul.f32 $1.442695020e+00, v10  }
0xcd: {  	v17 =	vsub.f32 v17, v18;
	v8 =	vmul.f32 $1.442695020e+00, v8;
	(erf) = vpow2.f32 v11  }
0xce: {  	v6 =	vsub.f32 v6, v18;
	v7 =	vmul.f32 $1.442695020e+00, v7;
	(erf) = vpow2.f32 v10  }
0xcf: {  	v5 =	vsub.f32 v5, v15;
	v17 =	vmul.f32 $1.442695020e+00, v17;
	(erf) = vpow2.f32 v9  }
0xd0: {  	v13 =	vsub.f32 v13, v18;
	v6 =	vmul.f32 $1.442695020e+00, v6;
	(erf) = vpow2.f32 v7  }
0xd1: {  	v4 =	vsub.f32 v4, v15;
	v5 =	vmul.f32 $1.442695020e+00, v5;
	(erf) = vpow2.f32 v8  }
0xd2: {  	v14 =	vsub.f32 v14, v18;
	v11 =	vmul.f32 $1.442695020e+00, v13;
	(erf) = vpow2.f32 v6  }
0xd3: {  	v3 =	vsub.f32 v3, v15;
	v4 =	vmul.f32 $1.442695020e+00, v4;
	(erf) = vpow2.f32 v5  }
0xd4: {  	v2 =	vsub.f32 v2, v15;
	v10 =	vmul.f32 $1.442695020e+00, v14;
	(erf) = vpow2.f32 v11  }
0xd5: {  	v12 =	vsub.f32 v12, v18;
	v3 =	vmul.f32 $1.442695020e+00, v3;
	(erf) = vpow2.f32 v4  }
0xd6: {  	v2 =	vmul.f32 $1.442695020e+00, v2;
	v7 =	vsub.f32 v16, v15;
	v5 =	vpop (erf);
	(erf) = vpow2.f32 v10  }
0xd7: {  	v1 =	vsub.f32 v1, v15;
	v8 =	vmul.f32 $1.442695020e+00, v12;
	v6 =	vpop (erf);
	(erf) = vpow2.f32 v3  }
0xd8: {  	v4 =	vmul.f32 $1.442695020e+00, v7;
	v7 =	vadd.f32 v5, v6;
	(erf) = vpow2.f32 v17;
	v9 =	vpop (erf)  }
0xd9: {  	v10 =	vpop (erf);
	(erf) = vpow2.f32 v2  }
0xda: {  	v1 =	vmul.f32 $1.442695020e+00, v1;
	v2 =	vadd.f32 v7, v10;
	(erf) = vpow2.f32 v8;
	v3 =	vpop (erf)  }
0xdb: {  	v11 =	vpop (erf)  }
0xdc: {  	(erf) = vpow2.f32 v1;
	v1 =	vadd.f32 v2, v11;
	v47 =	vpop (erf)  }
0xdd: {  	v8 =	vadd.f32 v3, v9;
	v7 =	vpop (erf)  }
0xde: {  	(erf) = vpow2.f32 v4;
	v1 =	vadd.f32 v1, v7;
	v4 =	vpop (erf)  }
0xdf: {  	v2 =	vadd.f32 v8, v47;
	v48 =	vpop (erf)  }
0xe0: {  	v1 =	vadd.f32 v1, v48;
	v49 =	vpop (erf)  }
0xe1: {  	v2 =	vadd.f32 v2, v4;
	v8 =	vpop (erf)  }
0xe2: {  	v1 =	vadd.f32 v1, v8;
	v50 =	vpop (erf)  }
0xe3: {  	v2 =	vadd.f32 v2, v49;
	v51 =	vpop (erf)  }
0xe4: {  	v52 =	vadd.f32 v1, v51  }
0xe5: {  	v2 =	vadd.f32 v2, v50  }
0xe6: {  	v53 =	vpop (erf);
	(erf) = vrcp.f32 v52  }
0xe7: {  	v2 =	vadd.f32 v2, v53  }
0xe8: {  	v1 =	vpop (erf)  }
0xe9: {  	v2 =	vadd.f32 v2, v1;
	_ =	sdelay $0x1  }
0xea: {  	(erf) = vrcp.f32 v2;
	_ =	sdelay $0x3  }
0xeb: {  	v18 =	vpop (erf)  }
0xec: {  	v19 =	vmul.f32 v18, v6;
	v5 =	vmul.f32 v18, v5;
	_ =	sdelay $0x1  }
0xed: {  	v10 =	vmul.f32 v18, v10;
	vm0 =	vgt.f32 v5, v19  }
0xee: {  	v62 =	vimm.s32 $0x0;
	v8 =	vmul.f32 v18, v8;
	v21 =	vsel vm0, v5, v19  }
0xef: {  	v13 =	vmul.f32 v18, v48;
	v11 =	vmul.f32 v18, v11;
	v20 =	vpop (erf);
	vm1 =	vgt.f32 v10, v21  }
0xf0: {  	v54 =	vmul.f32 v18, v7;
	v2 =	vmul.f32 v20, v1;
	v1 =	vsel vm1, v10, v21  }
0xf1: {  	v16 =	vmul.f32 v18, v51;
	v9 =	vmul.f32 v20, v9;
	vm2 =	vgt.f32 v11, v1  }
0xf2: {  	v6 =	vmul.f32 v20, v53;
	v55 =	vsel vm0, $0x1, v0;
	v1 =	vsel vm2, v11, v1  }
0xf3: {  	v56 =	vmul.f32 v20, v4;
	v4 =	vsel vm1, $0x2, v55;
	vm0 =	vgt.f32 v54, v1  }
0xf4: {  	v57 =	vmul.f32 v20, v3;
	v3 =	vsel vm2, $0x3, v4;
	v1 =	vsel vm0, v54, v1  }
0xf5: {  	v12 =	vmul.f32 v20, v47;
	v3 =	vsel vm0, $0x4, v3;
	vm0 =	vgt.f32 v13, v1  }
0xf6: {  	v14 =	vmul.f32 v20, v49;
	vm1 =	vgt.f32 v57, v9;
	v1 =	vsel vm0, v13, v1  }
0xf7: {  	v58 =	vsel vm1, $0x1, v0;
	v4 =	vsel vm1, v57, v9;
	vm6 =	vgt.f32 v8, v1  }
0xf8: {  	v3 =	vsel vm0, $0x5, v3;
	vm0 =	vgt.f32 v12, v4;
	v1 =	vsel vm6, v8, v1  }
0xf9: {  	v4 =	vsel vm0, v12, v4;
	v18 =	vsel vm0, $0x2, v58;
	vm2 =	vgt.f32 v16, v1  }
0xfa: {  	v3 =	vsel vm6, $0x6, v3;
	vm1 =	vgt.f32 v56, v4;
	vm15 =	vmneg vm2  }
0xfb: {  	v59 =	vsel vm1, v56, v4;
	v4 =	vsel vm1, $0x3, v18;
	v3 =	vnsel vm15, $0x7, v3  }
0xfc: {  	vm0 =	vgt.f32 v14, v59;
	vm2 =	vgt.f32 v19, $-1.000000000e+00;
	vm1 =	vne.s32 v3, $0x0  }
0xfd: {  	v7 =	vmul.f32 v20, v50;
	v18 =	vsel vm0, $0x4, v4;
	vm1 =	vmand vm2, vm1  }
0xfe: {  	v4 =	vsel vm15, v1, v16;
	v1 =	vsel vm0, v14, v59;
	v19 =	vnsel vm1, $0xBF800000, v19  }
0xff: {  	vm0 =	vgt.f32 v7, v1;
	vm1 =	vne.s32 v3, $0x1;
	vm2 =	vgt.f32 v5, v19  }
0x100: {  	v1 =	vsel vm0, v7, v1;
	v18 =	vsel vm0, $0x5, v18;
	vm1 =	vmand vm1, vm2  }
0x101: {  	vm0 =	vne.s32 v3, $0x2;
	vm2 =	vgt.f32 v6, v1;
	v5 =	vsel vm1, v5, v19  }
0x102: {  	v60 =	vsel vm1, $0x1, v0;
	v61 =	vsel vm2, v6, v1;
	vm1 =	vgt.f32 v10, v5  }
0x103: {  	v63 =	vimm.s32 $0x0;
	vm4 =	vgt.f32 v2, v61;
	vm0 =	vmand vm0, vm1  }
0x104: {  	v1 =	vsel vm2, $0x6, v18;
	vm10 =	vmneg vm4;
	v10 =	vsel vm0, v10, v5  }
0x105: {  	v20 =	vsel vm0, $0x2, v60;
	vm0 =	vne.s32 v3, $0x3;
	vm1 =	vgt.f32 v11, v10  }
0x106: {  	vm3 =	vgt.f32 v9, $-1.000000000e+00;
	v1 =	vnsel vm10, $0x7, v1;
	vm0 =	vmand vm0, vm1  }
0x107: {  	vm5 =	vne.s32 v3, $0x5;
	vm1 =	vne.s32 v1, $0x0;
	v10 =	vsel vm0, v11, v10  }
0x108: {  	vm4 =	vne.s32 v3, $0x4;
	vm1 =	vmand vm3, vm1;
	vm7 =	vgt.f32 v54, v10  }
0x109: {  	v11 =	vsel vm0, $0x3, v20;
	v9 =	vnsel vm1, $0xBF800000, v9;
	vm0 =	vmand vm4, vm7  }
0x10a: {  	vm3 =	vne.s32 v1, $0x1;
	vm1 =	vgt.f32 v57, v9;
	v10 =	vsel vm0, v54, v10  }
0x10b: {  	v11 =	vsel vm0, $0x4, v11;
	vm1 =	vmand vm3, vm1;
	vm0 =	vgt.f32 v13, v10  }
0x10c: {  	v17 =	vsel vm1, $0xFFFFFFFF, v62;
	v9 =	vsel vm1, v57, v9;
	vm1 =	vne.s32 v1, $0x2  }
0x10d: {  	vm0 =	vmand vm5, vm0;
	vm3 =	vgt.f32 v12, v9;
	vm5 =	vmand vm6, vm15  }
0x10e: {  	v11 =	vsel vm0, $0x5, v11;
	v10 =	vsel vm0, v13, v10;
	vm1 =	vmand vm1, vm3  }
0x10f: {  	vm0 =	vgt.f32 v8, v10;
	v13 =	vsel vm1, $0xFFFFFFFF, v63;
	v9 =	vsel vm1, v12, v9  }
0x110: {  	vm1 =	vne.s32 v1, $0x3;
	vm0 =	vmneg vm0;
	vm3 =	vgt.f32 v56, v9  }
0x111: {  	vm0 =	vmor vm5, vm0;
	vm7 =	vmand vm1, vm3  }
0x112: {  	v10 =	vsel vm0, v10, v8;
	v12 =	vsel vm7, v56, v9  }
0x113: {  	vm3 =	vne.s32 v1, $0x4;
	vm1 =	vgt.f32 v16, v10;
	vm4 =	vgt.f32 v14, v12  }
0x114: {  	vm8 =	vmand vm15, vm1;
	vm4 =	vmand vm3, vm4  }
0x115: {  	v9 =	vsel vm8, v16, v10;
	v10 =	vsel vm4, v14, v12  }
0x116: {  	vm1 =	vne.s32 v1, $0x5;
	vm3 =	vgt.f32 v7, v10  }
0x117: {  	vm11 =	vmand vm1, vm3  }
0x118: {  	v7 =	vsel vm11, v7, v10  }
0x119: {  	p0 =	sne.s32 s7, $0x1;
	v8 =	vnsel vm0, $0x6, v11;
	vm12 =	vmor vm8, vm0;
	vm0 =	vgt.f32 v6, v7  }
.Ltmp2:
0x11a: {  	vm3 =	vmand vm2, vm10;
	vm0 =	vmneg vm0;
	(pc) =	sbr.rel @p0 .LBB2_2-.Ltmp2, $4  }
0x11b: {  	vm9 =	vmor vm3, vm0  }
0x11c: {  	vm14 =	veq.s32 v3, $0x1;
	v11 =	vadd.f32 v9, v4;
	v6 =	vsel vm9, v7, v6  }
0x11d: {  	vm13 =	veq.s32 v3, $0x2;
	v5 =	vsel vm10, v61, v2;
	[tilespmem:$0x1FFE0] =	vst v17;
	vm0 =	vgt.f32 v2, v6  }
0x11e: {  	s7 =	sadd.s32 $0xFFFFFFFF, s7;
	[tilespmem:$0x1FFF0] =	vst v13;
	v8 =	vsel vm8, $0x7, v8;
	(erf) = vrcp.f32 v11;
	vm6 =	vmand vm10, vm0  }
.LBB2_3:
0x11f: {  	_ =	sdelay $0x6  }
0x120: {  	v2 =	vsel vm6, v2, v6  }
0x121: {  	v7 =	vadd.f32 v2, v5;
	v41 =	vpop (erf)  }
0x122: {  	vm0 =	veq.s32 v8, $0x0;
	v9 =	vmul.f32 v41, v9  }
0x123: {  	vm1 =	veq.s32 v8, $0x2;
	vm2 =	veq.s32 v8, $0x3;
	v13 =	vld [tilespmem:$0x1FFE0];
	(erf) = vrcp.f32 v7  }
0x124: {  	v4 =	vmul.f32 v41, v4;
	v42 =	vnsel vm0, $0x0, v9;
	vm0 =	veq.s32 v8, $0x1  }
0x125: {  	v44 =	vld [tilespmem:$0x1FFF0];
	v11 =	vnsel vm1, $0x0, v9;
	v12 =	vnsel vm2, $0x0, v9;
	vm1 =	veq.s32 v8, $0x5  }
0x126: {  	v47 =	vnsel vm8, $0x0, v9;
	v10 =	vnsel vm0, $0x0, v9;
	vm0 =	veq.s32 v8, $0x4  }
0x127: {  	vm8 =	veq.s32 v1, $0x0;
	v43 =	vnsel vm0, $0x0, v9;
	vm0 =	veq.s32 v3, $0x3  }
0x128: {  	v8 =	vnsel vm1, $0x0, v9;
	v12 =	vsel vm0, v4, v12;
	vm0 =	vnez.u8 v13  }
0x129: {  	v46 =	vsel vm13, v4, v11;
	v0 =	vsel vm0, $0x1, v0;
	vm0 =	veq.s32 v3, $0x4  }
0x12a: {  	v50 =	vsel vm15, v47, v4;
	v6 =	vsel vm0, v4, v43;
	vm0 =	vnez.u8 v44  }
0x12b: {  	v45 =	vsel vm14, v4, v10;
	[tilespmem:$0x500] =	vst v46;
	v0 =	vsel vm0, $0x2, v0;
	vm0 =	veq.s32 v3, $0x5  }
0x12c: {  	v9 =	vsel vm12, $0x0, v9;
	[tilespmem:$0x780] =	vst v50;
	v48 =	vpop (erf);
	v8 =	vsel vm0, v4, v8;
	v0 =	vsel vm7, $0x3, v0  }
0x12d: {  	[tilespmem:$0x480] =	vst v45;
	vm7 =	veq.s32 v3, $0x0;
	v2 =	vmul.f32 v48, v2;
	v49 =	vmul.f32 v48, v5  }
0x12e: {  	[tilespmem:$0x580] =	vst v12;
	v3 =	vsel vm7, v4, v42;
	v0 =	vsel vm4, $0x4, v0;
	v4 =	vsel vm5, v4, v9  }
0x12f: {  	[tilespmem:$0x600] =	vst v6;
	vm4 =	veq.s32 v1, $0x4;
	vm5 =	veq.s32 v1, $0x3;
	v0 =	vsel vm11, $0x5, v0  }
0x130: {  	[tilespmem:$0x680] =	vst v8;
	v57 =	vnsel vm6, $0x0, v2;
	vm11 =	veq.s32 v1, $0x2;
	v0 =	vnsel vm9, $0x6, v0  }
0x131: {  	[tilespmem:$0x700] =	vst v4;
	vm9 =	vmor vm6, vm9;
	v4 =	vsel vm10, v57, v49;
	v0 =	vsel vm6, $0x7, v0  }
0x132: {  	[tilespmem:$0x400] =	vst v3;
	v61 =	vsel vm9, $0x0, v2;
	vm13 =	veq.s32 v0, $0x2;
	vm15 =	veq.s32 v0, $0x4  }
0x133: {  	[tilespmem:$0x790] =	vst v4;
	vm14 =	veq.s32 v0, $0x3;
	v63 =	vsel vm3, v49, v61;
	v53 =	vnsel vm15, $0x0, v2  }
0x134: {  	vm7 =	veq.s32 v0, $0x0;
	v52 =	vnsel vm14, $0x0, v2;
	[tilespmem:$0x710] =	vst v63;
	v55 =	vsel vm4, v49, v53  }
0x135: {  	vm12 =	veq.s32 v0, $0x5;
	v56 =	vnsel vm7, $0x0, v2;
	v54 =	vsel vm5, v49, v52;
	[tilespmem:$0x610] =	vst v55  }
0x136: {  	v51 =	vnsel vm13, $0x0, v2;
	vm13 =	veq.s32 v0, $0x1;
	v7 =	vsel vm8, v49, v56;
	[tilespmem:$0x590] =	vst v54  }
0x137: {  	v59 =	vnsel vm12, $0x0, v2;
	vm14 =	veq.s32 v1, $0x5;
	v58 =	vsel vm11, v49, v51;
	[tilespmem:$0x410] =	vst v7  }
0x138: {  	vm15 =	veq.s32 v1, $0x1;
	v60 =	vnsel vm13, $0x0, v2;
	v0 =	vsel vm14, v49, v59;
	[tilespmem:$0x510] =	vst v58  }
0x139: {  	v62 =	vsel vm15, v49, v60;
	[tilespmem:$0x690] =	vst v0  }
0x13a: {  	[tilespmem:$0x490] =	vst v62  }
0x13b: {  	[hbm4b:s2+s4] =	stream.linear.scatter [tilespmem:s6], [sflag:$0x1], $0x400, $0x38;
	[tilespmem:$0x800] =	vst v63  }
0x13c: {  	_ =	swait.ge [sflag:s3], $0x400  }
0x13d: {  	[sflag:s3] =	ssyncset.done $0x0  }
0x13e: {  	[sflag:s3] =	ssyncadd.s32 $0xFFFFFC00  }
.LBB2_4:
0x13f: {  	_ =	sfence.sel $0x180000  }
0x140: {  	[bflag:$0x0] =	sbarrier.arrive $0xFFFF  }
0x141: {  	p0 =	sne.s32 s0, $0x0;
	_ =	strace $0x90000047  }
0x142: {  	s0 =	sadd.s32 @!p0 $0x100000, s1;
	[bflag:$0x2] =	sbarrier.arrive $0xFFFF  }
0x143: {  	[sflag:s0] =	ssyncadd.tile.s32 @!p0 $0x1;
	_ =	shalt  }
.Lfunc_end2:
_tile_overlayer_lowered:
.L_overlay_start_2:
0x144: {  	(tag) =	ssettag $0x2  }
0x145: {  	s0 =	rddreg [dreg:$0x0];
	s2 =	stileid.u32  }
0x146: {  	s1 =	rddreg [dreg:$0x1];
	p0 =	sne.s32 s2, $0x0  }
0x147: {  	s3 =	rddreg [dreg:$0x2];
	[bflag:$0x3] =	sbarrier.arrive $0xFFFF;
	s2 =	simm.s32 @!p0 $0x1C01  }
0x148: {  	[timem:s3], [sflag:s2] =	dma.local @!p0 [hbm:s0], s1  }
0x149: {  	s0 =	simm.s32 @!p0 $0x1  }
0x14a: {  	_ =	swait.ge @!p0 [sflag:s0], s1  }
0x14b: {  	s1 =	ssub.s32 @!p0 $0x0, s1;
	[sflag:s0] =	ssyncset.done @!p0 $0x0  }
0x14c: {  	[sflag:s0] =	ssyncadd.s32 @!p0 s1  }
0x14d: {  	[bflag:$0x3] =	sbarrier.arrive $0xFFFF  }
0x14e: {  	_ =	shalt  }

</sc_bundles>
